<compile_context>
chip_gen: v7x
topology: tpu7x:2x2x1
jax: 0.10.2.dev20260603
libtpu: 0.0.44.dev20260713+nightly
codegen_flags: <defaults>
</compile_context>

<pallas_src>
import functools

import jax
import jax.numpy as jnp
from jax import lax
from jax.experimental import pallas as pl
from jax.experimental.pallas import tpu as pltpu
from jax.experimental.pallas import tpu_sc as plsc

_B = 1024
_SRC = 200
_DEC = 512
_ENC = 512
_V = 1000

_L = 16
_NC = 2
_NS = 16
_NW = _NC * _NS
_GPW = _B // _L // _NW
_VP = 1024
_SP = 256


def _gate_body(dh_ref, cv_ref, w1_ref, b1_ref, w2_ref, b2_ref, p_ref):
    w1 = w1_ref[...]
    h = lax.dot_general(dh_ref[...], w1[:, :_DEC], (((1,), (1,)), ((), ())),
                        preferred_element_type=jnp.float32)
    h += lax.dot_general(cv_ref[...], w1[:, _DEC:], (((1,), (1,)), ((), ())),
                         preferred_element_type=jnp.float32)
    h = jnp.tanh(h + b1_ref[...])
    z = lax.dot_general(h, w2_ref[...], (((1,), (1,)), ((), ())),
                        preferred_element_type=jnp.float32)
    p_ref[...] = jax.nn.sigmoid(z + b2_ref[0, 0])


def _combine_body(vocab_ref, acc_ref, p_ref, out_ref):
    vocab = vocab_ref[...]
    acc = acc_ref[...]
    p = p_ref[:, :1]
    vsum = jnp.sum(vocab, axis=1, keepdims=True)
    accsum = jnp.sum(acc, axis=1, keepdims=True)
    total = (1.0 - p) * vsum + p * accsum
    inv = 1.0 / (total + 1e-10)
    out_ref[...] = (vocab * (1.0 - p) + p * acc) * inv


def _sc_body(attn_hbm, chars_hbm, acc_hbm,
             acc_0, acc_1, attn_0, attn_1, chars_0, chars_1,
             sem_in0, sem_in1, sem_out0, sem_out1):
    wid = lax.axis_index("s") * _NC + lax.axis_index("c")
    iota = lax.iota(jnp.int32, _L)
    zeros = jnp.zeros((_L,), jnp.float32)

    sets = ((acc_0, attn_0, chars_0, sem_in0, sem_out0),
            (acc_1, attn_1, chars_1, sem_in1, sem_out1))

    in_handles = []
    for k in range(_GPW):
        base = (wid * _GPW + k) * _L
        _, attn_v, chars_v, sem_in, _ = sets[k]
        in_handles.append([
            pltpu.async_copy(attn_hbm.at[pl.ds(base, _L), :], attn_v, sem_in),
            pltpu.async_copy(chars_hbm.at[pl.ds(base, _L), :], chars_v,
                             sem_in),
        ])

    out_handles = []
    for k in range(_GPW):
        base = (wid * _GPW + k) * _L
        acc_v, attn_v, chars_v, sem_in, sem_out = sets[k]

        def _zrow(r, c, acc_v=acc_v):
            def _z(i, c2):
                acc_v[r, pl.ds(i * _L, _L)] = zeros
                return c2
            lax.fori_loop(0, _V // _L, _z, 0, unroll=8)
            acc_v[r, pl.ds(_V - _L, _L)] = zeros
            return c
        lax.fori_loop(0, _L, _zrow, 0)

        for h in in_handles[k]:
            h.wait()

        def _scat(s, c, chars_v=chars_v, attn_v=attn_v, acc_v=acc_v):
            col = jnp.full((_L,), s, jnp.int32)
            ch = plsc.load_gather(chars_v, [iota, col])
            aw = plsc.load_gather(attn_v, [iota, col])
            plsc.addupdate_scatter(acc_v, [iota, ch], aw)
            return c
        lax.fori_loop(0, _SRC, _scat, 0, unroll=8)

        out_handles.append(
            pltpu.async_copy(acc_v, acc_hbm.at[pl.ds(base, _L), :],
                             sem_out))

    for h in out_handles:
        h.wait()


def kernel(decoder_hidden, context_vector, encoder_outputs, attention_weights,
           vocab_distribution, source_chars, W1, b1, W2, b2):
    del encoder_outputs

    chars = source_chars.astype(jnp.int32)

    mesh = plsc.VectorSubcoreMesh(core_axis_name="c", subcore_axis_name="s")
    sc_call = functools.partial(
        pl.kernel, mesh=mesh,
        compiler_params=pltpu.CompilerParams(use_tc_tiling_on_sc=True,
                                             needs_layout_passes=False),
        out_type=jax.ShapeDtypeStruct((_B, _V), jnp.float32),
        scratch_types=[
            pltpu.VMEM((_L, _V), jnp.float32),
            pltpu.VMEM((_L, _V), jnp.float32),
            pltpu.VMEM((_L, _SRC), jnp.float32),
            pltpu.VMEM((_L, _SRC), jnp.float32),
            pltpu.VMEM((_L, _SRC), jnp.int32),
            pltpu.VMEM((_L, _SRC), jnp.int32),
            pltpu.SemaphoreType.DMA,
            pltpu.SemaphoreType.DMA,
            pltpu.SemaphoreType.DMA,
            pltpu.SemaphoreType.DMA,
        ],
    )(_sc_body)
    acc = sc_call(attention_weights, chars)

    p_wide = pl.pallas_call(
        _gate_body,
        out_shape=jax.ShapeDtypeStruct((_B, 128), jnp.float32),
    )(decoder_hidden, context_vector, W1,
      b1.reshape(1, _DEC), jnp.pad(W2, ((0, 127), (0, 0))), b2.reshape(1, 1))

    _rb = 512
    final = pl.pallas_call(
        _combine_body,
        grid=(_B // _rb,),
        in_specs=[
            pl.BlockSpec((_rb, _V), lambda i: (i, 0)),
            pl.BlockSpec((_rb, _V), lambda i: (i, 0)),
            pl.BlockSpec((_rb, 128), lambda i: (i, 0)),
        ],
        out_specs=pl.BlockSpec((_rb, _V), lambda i: (i, 0)),
        out_shape=jax.ShapeDtypeStruct((_B, _V), jnp.float32),
    )(vocab_distribution, acc, p_wide)
    return final, p_wide[:, :1]

# --- scband reference (transcript-rebuilt; emitter-appended) ---
"""Pipeline reference for scband-copy-mechanism-79663053406438 (READ-ONLY COPY).

The authoritative reference and input builder live on the scoring server;
editing this copy changes nothing except your own understanding.
"""

import jax, jax.numpy as jnp
import numpy as np

B = 1024
SRC = 200
DEC = 512
ENC = 512
V = 1000


def setup_inputs(seed: int = 0) -> dict:
    key = jax.random.key(seed)
    ks = jax.random.split(key, 10)
    decoder_hidden = jax.random.normal(ks[0], (B, DEC), dtype=jnp.float32)
    context_vector = jax.random.normal(ks[1], (B, ENC), dtype=jnp.float32)
    encoder_outputs = jax.random.normal(ks[2], (B, SRC, ENC), dtype=jnp.float32)
    aw = jax.random.uniform(ks[3], (B, SRC), dtype=jnp.float32)
    attention_weights = aw / jnp.sum(aw, axis=1, keepdims=True)
    vd = jax.random.uniform(ks[4], (B, V), dtype=jnp.float32)
    vocab_distribution = vd / jnp.sum(vd, axis=1, keepdims=True)
    source_chars = jax.random.randint(ks[5], (B, SRC), 0, V, dtype=jnp.int64)
    # copy_gate params: Linear(DEC+ENC -> DEC), Tanh, Linear(DEC -> 1), Sigmoid
    W1 = jax.random.normal(ks[6], (DEC, DEC + ENC), dtype=jnp.float32) * 0.02
    b1 = jnp.zeros((DEC,), dtype=jnp.float32)
    W2 = jax.random.normal(ks[7], (1, DEC), dtype=jnp.float32) * 0.02
    b2 = jnp.zeros((1,), dtype=jnp.float32)
    return {
        "decoder_hidden": decoder_hidden,
        "context_vector": context_vector,
        "encoder_outputs": encoder_outputs,
        "attention_weights": attention_weights,
        "vocab_distribution": vocab_distribution,
        "source_chars": source_chars,
        "W1": W1, "b1": b1, "W2": W2, "b2": b2,
    }


def reference(decoder_hidden, context_vector, encoder_outputs, attention_weights,
              vocab_distribution, source_chars, W1, b1, W2, b2):
    batch_size = decoder_hidden.shape[0]
    # copy gate: sigmoid(Linear(tanh(Linear([h; ctx]))))
    gate_input = jnp.concatenate([decoder_hidden, context_vector], axis=-1)
    h = jnp.tanh(gate_input @ W1.T + b1)
    copy_prob = jax.nn.sigmoid(h @ W2.T + b2)  # [B, 1]
    # copy_penalty == 0.0, so no scaling branch
    gen_prob = 1.0 - copy_prob
    gen_distribution = gen_prob * vocab_distribution
    copy_distribution = copy_prob * attention_weights  # [B, SRC]
    rows = jnp.arange(batch_size, dtype=source_chars.dtype)[:, None]
    copy_vocab_distribution = jnp.zeros((batch_size, V), dtype=jnp.float32).at[rows, source_chars].add(copy_distribution)
    final_distribution = gen_distribution + copy_vocab_distribution
    final_distribution = final_distribution / (jnp.sum(final_distribution, axis=1, keepdims=True) + 1e-10)
    return (final_distribution, copy_prob)

if __name__ == "__main__":
    import jax
    _d = setup_inputs()
    print(jax.jit(kernel)(*tuple(_d.values())))

</pallas_src>

<mosaic_0001>
#map = affine_map<(d0, d1) -> (0, 0)>
module attributes {stable_mosaic.version = 14 : i64} {
  func.func @_sc_body(%arg0: i32, %arg1: i32, %arg2: memref<1024x200xf32, #tpu.memory_space<hbm>>, %arg3: memref<1024x200xi32, #tpu.memory_space<hbm>>, %arg4: memref<1024x1000xf32, #tpu.memory_space<hbm>>, %arg5: memref<16x1000xf32, #tpu.memory_space<vmem>>, %arg6: memref<16x1000xf32, #tpu.memory_space<vmem>>, %arg7: memref<16x200xf32, #tpu.memory_space<vmem>>, %arg8: memref<16x200xf32, #tpu.memory_space<vmem>>, %arg9: memref<16x200xi32, #tpu.memory_space<vmem>>, %arg10: memref<16x200xi32, #tpu.memory_space<vmem>>, %arg11: memref<!tpu.dma_semaphore, #tpu.memory_space<semaphore_mem>>, %arg12: memref<!tpu.dma_semaphore, #tpu.memory_space<semaphore_mem>>, %arg13: memref<!tpu.dma_semaphore, #tpu.memory_space<semaphore_mem>>, %arg14: memref<!tpu.dma_semaphore, #tpu.memory_space<semaphore_mem>>) attributes {dimension_semantics = [#tpu.dimension_semantics<core_parallel>, #tpu.dimension_semantics<subcore_parallel>], iteration_bounds = array<i64: 2, 16>, scalar_prefetch = 0 : i64, scratch_operands = 10 : i64, tpu.core_type = #tpu.core_type<sc_vector_subcore>, window_params = [{transform_indices = #map}, {transform_indices = #map}, {transform_indices = #map}]} {
    %mul3A = arith.constant 2 : i32
    %mul3A_0 = arith.muli %arg1, %mul3A : i32
    %add3A = arith.addi %mul3A_0, %arg0 : i32
    %iota3A = tpu.iota {dimensions = array<i32: 0>} : vector<16xi32>
    %broadcast_in_dim3A = arith.constant 0.000000e+00 : f32
    %broadcast_in_dim3A_1 = vector.broadcast %broadcast_in_dim3A : f32 to vector<16xf32>
    %mul3A_2 = arith.constant 2 : i32
    %mul3A_3 = arith.muli %add3A, %mul3A_2 : i32
    %add3A_4 = arith.constant 0 : i32
    %add3A_5 = arith.addi %mul3A_3, %add3A_4 : i32
    %mul3A_6 = arith.constant 16 : i32
    %mul3A_7 = arith.muli %add3A_5, %mul3A_6 : i32
    %dma_start3A = arith.constant 0 : i32
    %dma_start3A_8 = tpu.memref_slice %arg2[%mul3A_7, %dma_start3A] : memref<1024x200xf32, #tpu.memory_space<hbm>> -> memref<16x200xf32, #tpu.memory_space<hbm>>
    %dma_start3A_9 = arith.constant 0 : i32
    %dma_start3A_10 = tpu.memref_slice %arg2[%mul3A_7, %dma_start3A_9] : memref<1024x200xf32, #tpu.memory_space<hbm>> -> memref<16x200xf32, #tpu.memory_space<hbm>>
    tpu.enqueue_dma source(%dma_start3A_10 : memref<16x200xf32, #tpu.memory_space<hbm>>) target(%arg7 : memref<16x200xf32, #tpu.memory_space<vmem>>) target_semaphore(%arg11 : memref<!tpu.dma_semaphore, #tpu.memory_space<semaphore_mem>>)
    %dma_start3A_11 = arith.constant 0 : i32
    %dma_start3A_12 = tpu.memref_slice %arg3[%mul3A_7, %dma_start3A_11] : memref<1024x200xi32, #tpu.memory_space<hbm>> -> memref<16x200xi32, #tpu.memory_space<hbm>>
    %dma_start3A_13 = arith.constant 0 : i32
    %dma_start3A_14 = tpu.memref_slice %arg3[%mul3A_7, %dma_start3A_13] : memref<1024x200xi32, #tpu.memory_space<hbm>> -> memref<16x200xi32, #tpu.memory_space<hbm>>
    tpu.enqueue_dma source(%dma_start3A_14 : memref<16x200xi32, #tpu.memory_space<hbm>>) target(%arg9 : memref<16x200xi32, #tpu.memory_space<vmem>>) target_semaphore(%arg11 : memref<!tpu.dma_semaphore, #tpu.memory_space<semaphore_mem>>)
    %mul3A_15 = arith.constant 2 : i32
    %mul3A_16 = arith.muli %add3A, %mul3A_15 : i32
    %add3A_17 = arith.constant 1 : i32
    %add3A_18 = arith.addi %mul3A_16, %add3A_17 : i32
    %mul3A_19 = arith.constant 16 : i32
    %mul3A_20 = arith.muli %add3A_18, %mul3A_19 : i32
    %dma_start3A_21 = arith.constant 0 : i32
    %dma_start3A_22 = tpu.memref_slice %arg2[%mul3A_20, %dma_start3A_21] : memref<1024x200xf32, #tpu.memory_space<hbm>> -> memref<16x200xf32, #tpu.memory_space<hbm>>
    %dma_start3A_23 = arith.constant 0 : i32
    %dma_start3A_24 = tpu.memref_slice %arg2[%mul3A_20, %dma_start3A_23] : memref<1024x200xf32, #tpu.memory_space<hbm>> -> memref<16x200xf32, #tpu.memory_space<hbm>>
    tpu.enqueue_dma source(%dma_start3A_24 : memref<16x200xf32, #tpu.memory_space<hbm>>) target(%arg8 : memref<16x200xf32, #tpu.memory_space<vmem>>) target_semaphore(%arg12 : memref<!tpu.dma_semaphore, #tpu.memory_space<semaphore_mem>>)
    %dma_start3A_25 = arith.constant 0 : i32
    %dma_start3A_26 = tpu.memref_slice %arg3[%mul3A_20, %dma_start3A_25] : memref<1024x200xi32, #tpu.memory_space<hbm>> -> memref<16x200xi32, #tpu.memory_space<hbm>>
    %dma_start3A_27 = arith.constant 0 : i32
    %dma_start3A_28 = tpu.memref_slice %arg3[%mul3A_20, %dma_start3A_27] : memref<1024x200xi32, #tpu.memory_space<hbm>> -> memref<16x200xi32, #tpu.memory_space<hbm>>
    tpu.enqueue_dma source(%dma_start3A_28 : memref<16x200xi32, #tpu.memory_space<hbm>>) target(%arg10 : memref<16x200xi32, #tpu.memory_space<vmem>>) target_semaphore(%arg12 : memref<!tpu.dma_semaphore, #tpu.memory_space<semaphore_mem>>)
    %mul3A_29 = arith.constant 2 : i32
    %mul3A_30 = arith.muli %add3A, %mul3A_29 : i32
    %add3A_31 = arith.constant 0 : i32
    %add3A_32 = arith.addi %mul3A_30, %add3A_31 : i32
    %mul3A_33 = arith.constant 16 : i32
    %mul3A_34 = arith.muli %add3A_32, %mul3A_33 : i32
    %scan3A = arith.constant 0 : i32
    %scan3A_35 = arith.constant 0 : i32
    %scan3A_36 = arith.constant 16 : i32
    %scan3A_37 = arith.addi %scan3A_35, %scan3A_36 : i32
    %scan3A_38 = arith.constant 1 : i32
    scf.for %scan3A_95 = %scan3A_35 to %scan3A_37 step %scan3A_38  : i32 {
      %scan3A_96 = arith.constant 0 : i32
      %scan3A_97 = arith.constant 0 : i32
      %scan3A_98 = arith.constant 56 : i32
      %scan3A_99 = arith.addi %scan3A_97, %scan3A_98 : i32
      %scan3A_100 = arith.constant 8 : i32
      scf.for %scan3A_146 = %scan3A_97 to %scan3A_99 step %scan3A_100  : i32 {
        %mul3A_147 = arith.constant 16 : i32
        %mul3A_148 = arith.muli %scan3A_146, %mul3A_147 : i32
        %swap3A_149 = arith.index_cast %scan3A_95 : i32 to index
        %swap3A_150 = arith.index_cast %mul3A_148 : i32 to index
        %swap3A_151 = tpu.vector_load %arg5[%swap3A_149, %swap3A_150] {strides = array<i32>} : memref<16x1000xf32, #tpu.memory_space<vmem>>, vector<16xf32>,
        tpu.vector_store %arg5[%swap3A_149, %swap3A_150], %broadcast_in_dim3A_1 {strides = array<i32>} : memref<16x1000xf32, #tpu.memory_space<vmem>>, vector<16xf32>,
        %scan3A_152 = arith.constant 1 : i32
        %scan3A_153 = arith.addi %scan3A_146, %scan3A_152 : i32
        %mul3A_154 = arith.constant 16 : i32
        %mul3A_155 = arith.muli %scan3A_153, %mul3A_154 : i32
        %swap3A_156 = arith.index_cast %scan3A_95 : i32 to index
        %swap3A_157 = arith.index_cast %mul3A_155 : i32 to index
        %swap3A_158 = tpu.vector_load %arg5[%swap3A_156, %swap3A_157] {strides = array<i32>} : memref<16x1000xf32, #tpu.memory_space<vmem>>, vector<16xf32>,
        tpu.vector_store %arg5[%swap3A_156, %swap3A_157], %broadcast_in_dim3A_1 {strides = array<i32>} : memref<16x1000xf32, #tpu.memory_space<vmem>>, vector<16xf32>,
        %scan3A_159 = arith.constant 2 : i32
        %scan3A_160 = arith.addi %scan3A_146, %scan3A_159 : i32
        %mul3A_161 = arith.constant 16 : i32
        %mul3A_162 = arith.muli %scan3A_160, %mul3A_161 : i32
        %swap3A_163 = arith.index_cast %scan3A_95 : i32 to index
        %swap3A_164 = arith.index_cast %mul3A_162 : i32 to index
        %swap3A_165 = tpu.vector_load %arg5[%swap3A_163, %swap3A_164] {strides = array<i32>} : memref<16x1000xf32, #tpu.memory_space<vmem>>, vector<16xf32>,
        tpu.vector_store %arg5[%swap3A_163, %swap3A_164], %broadcast_in_dim3A_1 {strides = array<i32>} : memref<16x1000xf32, #tpu.memory_space<vmem>>, vector<16xf32>,
        %scan3A_166 = arith.constant 3 : i32
        %scan3A_167 = arith.addi %scan3A_146, %scan3A_166 : i32
        %mul3A_168 = arith.constant 16 : i32
        %mul3A_169 = arith.muli %scan3A_167, %mul3A_168 : i32
        %swap3A_170 = arith.index_cast %scan3A_95 : i32 to index
        %swap3A_171 = arith.index_cast %mul3A_169 : i32 to index
        %swap3A_172 = tpu.vector_load %arg5[%swap3A_170, %swap3A_171] {strides = array<i32>} : memref<16x1000xf32, #tpu.memory_space<vmem>>, vector<16xf32>,
        tpu.vector_store %arg5[%swap3A_170, %swap3A_171], %broadcast_in_dim3A_1 {strides = array<i32>} : memref<16x1000xf32, #tpu.memory_space<vmem>>, vector<16xf32>,
        %scan3A_173 = arith.constant 4 : i32
        %scan3A_174 = arith.addi %scan3A_146, %scan3A_173 : i32
        %mul3A_175 = arith.constant 16 : i32
        %mul3A_176 = arith.muli %scan3A_174, %mul3A_175 : i32
        %swap3A_177 = arith.index_cast %scan3A_95 : i32 to index
        %swap3A_178 = arith.index_cast %mul3A_176 : i32 to index
        %swap3A_179 = tpu.vector_load %arg5[%swap3A_177, %swap3A_178] {strides = array<i32>} : memref<16x1000xf32, #tpu.memory_space<vmem>>, vector<16xf32>,
        tpu.vector_store %arg5[%swap3A_177, %swap3A_178], %broadcast_in_dim3A_1 {strides = array<i32>} : memref<16x1000xf32, #tpu.memory_space<vmem>>, vector<16xf32>,
        %scan3A_180 = arith.constant 5 : i32
        %scan3A_181 = arith.addi %scan3A_146, %scan3A_180 : i32
        %mul3A_182 = arith.constant 16 : i32
        %mul3A_183 = arith.muli %scan3A_181, %mul3A_182 : i32
        %swap3A_184 = arith.index_cast %scan3A_95 : i32 to index
        %swap3A_185 = arith.index_cast %mul3A_183 : i32 to index
        %swap3A_186 = tpu.vector_load %arg5[%swap3A_184, %swap3A_185] {strides = array<i32>} : memref<16x1000xf32, #tpu.memory_space<vmem>>, vector<16xf32>,
        tpu.vector_store %arg5[%swap3A_184, %swap3A_185], %broadcast_in_dim3A_1 {strides = array<i32>} : memref<16x1000xf32, #tpu.memory_space<vmem>>, vector<16xf32>,
        %scan3A_187 = arith.constant 6 : i32
        %scan3A_188 = arith.addi %scan3A_146, %scan3A_187 : i32
        %mul3A_189 = arith.constant 16 : i32
        %mul3A_190 = arith.muli %scan3A_188, %mul3A_189 : i32
        %swap3A_191 = arith.index_cast %scan3A_95 : i32 to index
        %swap3A_192 = arith.index_cast %mul3A_190 : i32 to index
        %swap3A_193 = tpu.vector_load %arg5[%swap3A_191, %swap3A_192] {strides = array<i32>} : memref<16x1000xf32, #tpu.memory_space<vmem>>, vector<16xf32>,
        tpu.vector_store %arg5[%swap3A_191, %swap3A_192], %broadcast_in_dim3A_1 {strides = array<i32>} : memref<16x1000xf32, #tpu.memory_space<vmem>>, vector<16xf32>,
        %scan3A_194 = arith.constant 7 : i32
        %scan3A_195 = arith.addi %scan3A_146, %scan3A_194 : i32
        %mul3A_196 = arith.constant 16 : i32
        %mul3A_197 = arith.muli %scan3A_195, %mul3A_196 : i32
        %swap3A_198 = arith.index_cast %scan3A_95 : i32 to index
        %swap3A_199 = arith.index_cast %mul3A_197 : i32 to index
        %swap3A_200 = tpu.vector_load %arg5[%swap3A_198, %swap3A_199] {strides = array<i32>} : memref<16x1000xf32, #tpu.memory_space<vmem>>, vector<16xf32>,
        tpu.vector_store %arg5[%swap3A_198, %swap3A_199], %broadcast_in_dim3A_1 {strides = array<i32>} : memref<16x1000xf32, #tpu.memory_space<vmem>>, vector<16xf32>,
      }
      %scan3A_101 = arith.constant 56 : i32
      %scan3A_102 = arith.addi %scan3A_97, %scan3A_101 : i32
      %mul3A_103 = arith.constant 16 : i32
      %mul3A_104 = arith.muli %scan3A_102, %mul3A_103 : i32
      %swap3A = arith.index_cast %scan3A_95 : i32 to index
      %swap3A_105 = arith.index_cast %mul3A_104 : i32 to index
      %swap3A_106 = tpu.vector_load %arg5[%swap3A, %swap3A_105] {strides = array<i32>} : memref<16x1000xf32, #tpu.memory_space<vmem>>, vector<16xf32>,
      tpu.vector_store %arg5[%swap3A, %swap3A_105], %broadcast_in_dim3A_1 {strides = array<i32>} : memref<16x1000xf32, #tpu.memory_space<vmem>>, vector<16xf32>,
      %scan3A_107 = arith.constant 57 : i32
      %scan3A_108 = arith.addi %scan3A_97, %scan3A_107 : i32
      %mul3A_109 = arith.constant 16 : i32
      %mul3A_110 = arith.muli %scan3A_108, %mul3A_109 : i32
      %swap3A_111 = arith.index_cast %scan3A_95 : i32 to index
      %swap3A_112 = arith.index_cast %mul3A_110 : i32 to index
      %swap3A_113 = tpu.vector_load %arg5[%swap3A_111, %swap3A_112] {strides = array<i32>} : memref<16x1000xf32, #tpu.memory_space<vmem>>, vector<16xf32>,
      tpu.vector_store %arg5[%swap3A_111, %swap3A_112], %broadcast_in_dim3A_1 {strides = array<i32>} : memref<16x1000xf32, #tpu.memory_space<vmem>>, vector<16xf32>,
      %scan3A_114 = arith.constant 58 : i32
      %scan3A_115 = arith.addi %scan3A_97, %scan3A_114 : i32
      %mul3A_116 = arith.constant 16 : i32
      %mul3A_117 = arith.muli %scan3A_115, %mul3A_116 : i32
      %swap3A_118 = arith.index_cast %scan3A_95 : i32 to index
      %swap3A_119 = arith.index_cast %mul3A_117 : i32 to index
      %swap3A_120 = tpu.vector_load %arg5[%swap3A_118, %swap3A_119] {strides = array<i32>} : memref<16x1000xf32, #tpu.memory_space<vmem>>, vector<16xf32>,
      tpu.vector_store %arg5[%swap3A_118, %swap3A_119], %broadcast_in_dim3A_1 {strides = array<i32>} : memref<16x1000xf32, #tpu.memory_space<vmem>>, vector<16xf32>,
      %scan3A_121 = arith.constant 59 : i32
      %scan3A_122 = arith.addi %scan3A_97, %scan3A_121 : i32
      %mul3A_123 = arith.constant 16 : i32
      %mul3A_124 = arith.muli %scan3A_122, %mul3A_123 : i32
      %swap3A_125 = arith.index_cast %scan3A_95 : i32 to index
      %swap3A_126 = arith.index_cast %mul3A_124 : i32 to index
      %swap3A_127 = tpu.vector_load %arg5[%swap3A_125, %swap3A_126] {strides = array<i32>} : memref<16x1000xf32, #tpu.memory_space<vmem>>, vector<16xf32>,
      tpu.vector_store %arg5[%swap3A_125, %swap3A_126], %broadcast_in_dim3A_1 {strides = array<i32>} : memref<16x1000xf32, #tpu.memory_space<vmem>>, vector<16xf32>,
      %scan3A_128 = arith.constant 60 : i32
      %scan3A_129 = arith.addi %scan3A_97, %scan3A_128 : i32
      %mul3A_130 = arith.constant 16 : i32
      %mul3A_131 = arith.muli %scan3A_129, %mul3A_130 : i32
      %swap3A_132 = arith.index_cast %scan3A_95 : i32 to index
      %swap3A_133 = arith.index_cast %mul3A_131 : i32 to index
      %swap3A_134 = tpu.vector_load %arg5[%swap3A_132, %swap3A_133] {strides = array<i32>} : memref<16x1000xf32, #tpu.memory_space<vmem>>, vector<16xf32>,
      tpu.vector_store %arg5[%swap3A_132, %swap3A_133], %broadcast_in_dim3A_1 {strides = array<i32>} : memref<16x1000xf32, #tpu.memory_space<vmem>>, vector<16xf32>,
      %scan3A_135 = arith.constant 61 : i32
      %scan3A_136 = arith.addi %scan3A_97, %scan3A_135 : i32
      %mul3A_137 = arith.constant 16 : i32
      %mul3A_138 = arith.muli %scan3A_136, %mul3A_137 : i32
      %swap3A_139 = arith.index_cast %scan3A_95 : i32 to index
      %swap3A_140 = arith.index_cast %mul3A_138 : i32 to index
      %swap3A_141 = tpu.vector_load %arg5[%swap3A_139, %swap3A_140] {strides = array<i32>} : memref<16x1000xf32, #tpu.memory_space<vmem>>, vector<16xf32>,
      tpu.vector_store %arg5[%swap3A_139, %swap3A_140], %broadcast_in_dim3A_1 {strides = array<i32>} : memref<16x1000xf32, #tpu.memory_space<vmem>>, vector<16xf32>,
      %scan3A_142 = arith.constant 62 : i32
      %swap3A_143 = arith.index_cast %scan3A_95 : i32 to index
      %swap3A_144 = arith.constant 984 : index
      %swap3A_145 = tpu.vector_load %arg5[%swap3A_143, %swap3A_144] {strides = array<i32>} : memref<16x1000xf32, #tpu.memory_space<vmem>>, vector<16xf32>,
      tpu.vector_store %arg5[%swap3A_143, %swap3A_144], %broadcast_in_dim3A_1 {strides = array<i32>} : memref<16x1000xf32, #tpu.memory_space<vmem>>, vector<16xf32>,
    }
    %scan3A_39 = arith.constant 16 : i32
    %dma_wait3A = arith.constant 0 : i32
    %dma_wait3A_40 = tpu.memref_slice %arg2[%mul3A_7, %dma_wait3A] : memref<1024x200xf32, #tpu.memory_space<hbm>> -> memref<16x200xf32, #tpu.memory_space<hbm>>
    %dma_wait3A_41 = arith.constant 0 : i32
    %dma_wait3A_42 = tpu.memref_slice %arg2[%mul3A_7, %dma_wait3A_41] : memref<1024x200xf32, #tpu.memory_space<hbm>> -> memref<16x200xf32, #tpu.memory_space<hbm>>
    tpu.wait_dma2 semaphore(%arg11 : memref<!tpu.dma_semaphore, #tpu.memory_space<semaphore_mem>>) src(%dma_wait3A_42 : memref<16x200xf32, #tpu.memory_space<hbm>>) dst(%arg7 : memref<16x200xf32, #tpu.memory_space<vmem>>)
    %dma_wait3A_43 = arith.constant 0 : i32
    %dma_wait3A_44 = tpu.memref_slice %arg3[%mul3A_7, %dma_wait3A_43] : memref<1024x200xi32, #tpu.memory_space<hbm>> -> memref<16x200xi32, #tpu.memory_space<hbm>>
    %dma_wait3A_45 = arith.constant 0 : i32
    %dma_wait3A_46 = tpu.memref_slice %arg3[%mul3A_7, %dma_wait3A_45] : memref<1024x200xi32, #tpu.memory_space<hbm>> -> memref<16x200xi32, #tpu.memory_space<hbm>>
    tpu.wait_dma2 semaphore(%arg11 : memref<!tpu.dma_semaphore, #tpu.memory_space<semaphore_mem>>) src(%dma_wait3A_46 : memref<16x200xi32, #tpu.memory_space<hbm>>) dst(%arg9 : memref<16x200xi32, #tpu.memory_space<vmem>>)
    %scan3A_47 = arith.constant 0 : i32
    %scan3A_48 = arith.constant 0 : i32
    %scan3A_49 = arith.constant 200 : i32
    %scan3A_50 = arith.addi %scan3A_48, %scan3A_49 : i32
    %scan3A_51 = arith.constant 8 : i32
    scf.for %scan3A_95 = %scan3A_48 to %scan3A_50 step %scan3A_51  : i32 {
      %broadcast_in_dim3A_96 = vector.broadcast %scan3A_95 : i32 to vector<16xi32>
      %gather3A = tpu.vector_load_idx %arg9[%iota3A, %broadcast_in_dim3A_96] : memref<16x200xi32, #tpu.memory_space<vmem>>[vector<16xi32>, vector<16xi32>], vector<16xi32>,
      %gather3A_97 = tpu.vector_load_idx %arg7[%iota3A, %broadcast_in_dim3A_96] : memref<16x200xf32, #tpu.memory_space<vmem>>[vector<16xi32>, vector<16xi32>], vector<16xf32>,
      tpu.vector_store_idx %arg5[%iota3A, %gather3A], %gather3A_97 {add = true} : memref<16x1000xf32, #tpu.memory_space<vmem>>[vector<16xi32>, vector<16xi32>], vector<16xf32>,
      %scan3A_98 = arith.constant 1 : i32
      %scan3A_99 = arith.addi %scan3A_95, %scan3A_98 : i32
      %broadcast_in_dim3A_100 = vector.broadcast %scan3A_99 : i32 to vector<16xi32>
      %gather3A_101 = tpu.vector_load_idx %arg9[%iota3A, %broadcast_in_dim3A_100] : memref<16x200xi32, #tpu.memory_space<vmem>>[vector<16xi32>, vector<16xi32>], vector<16xi32>,
      %gather3A_102 = tpu.vector_load_idx %arg7[%iota3A, %broadcast_in_dim3A_100] : memref<16x200xf32, #tpu.memory_space<vmem>>[vector<16xi32>, vector<16xi32>], vector<16xf32>,
      tpu.vector_store_idx %arg5[%iota3A, %gather3A_101], %gather3A_102 {add = true} : memref<16x1000xf32, #tpu.memory_space<vmem>>[vector<16xi32>, vector<16xi32>], vector<16xf32>,
      %scan3A_103 = arith.constant 2 : i32
      %scan3A_104 = arith.addi %scan3A_95, %scan3A_103 : i32
      %broadcast_in_dim3A_105 = vector.broadcast %scan3A_104 : i32 to vector<16xi32>
      %gather3A_106 = tpu.vector_load_idx %arg9[%iota3A, %broadcast_in_dim3A_105] : memref<16x200xi32, #tpu.memory_space<vmem>>[vector<16xi32>, vector<16xi32>], vector<16xi32>,
      %gather3A_107 = tpu.vector_load_idx %arg7[%iota3A, %broadcast_in_dim3A_105] : memref<16x200xf32, #tpu.memory_space<vmem>>[vector<16xi32>, vector<16xi32>], vector<16xf32>,
      tpu.vector_store_idx %arg5[%iota3A, %gather3A_106], %gather3A_107 {add = true} : memref<16x1000xf32, #tpu.memory_space<vmem>>[vector<16xi32>, vector<16xi32>], vector<16xf32>,
      %scan3A_108 = arith.constant 3 : i32
      %scan3A_109 = arith.addi %scan3A_95, %scan3A_108 : i32
      %broadcast_in_dim3A_110 = vector.broadcast %scan3A_109 : i32 to vector<16xi32>
      %gather3A_111 = tpu.vector_load_idx %arg9[%iota3A, %broadcast_in_dim3A_110] : memref<16x200xi32, #tpu.memory_space<vmem>>[vector<16xi32>, vector<16xi32>], vector<16xi32>,
      %gather3A_112 = tpu.vector_load_idx %arg7[%iota3A, %broadcast_in_dim3A_110] : memref<16x200xf32, #tpu.memory_space<vmem>>[vector<16xi32>, vector<16xi32>], vector<16xf32>,
      tpu.vector_store_idx %arg5[%iota3A, %gather3A_111], %gather3A_112 {add = true} : memref<16x1000xf32, #tpu.memory_space<vmem>>[vector<16xi32>, vector<16xi32>], vector<16xf32>,
      %scan3A_113 = arith.constant 4 : i32
      %scan3A_114 = arith.addi %scan3A_95, %scan3A_113 : i32
      %broadcast_in_dim3A_115 = vector.broadcast %scan3A_114 : i32 to vector<16xi32>
      %gather3A_116 = tpu.vector_load_idx %arg9[%iota3A, %broadcast_in_dim3A_115] : memref<16x200xi32, #tpu.memory_space<vmem>>[vector<16xi32>, vector<16xi32>], vector<16xi32>,
      %gather3A_117 = tpu.vector_load_idx %arg7[%iota3A, %broadcast_in_dim3A_115] : memref<16x200xf32, #tpu.memory_space<vmem>>[vector<16xi32>, vector<16xi32>], vector<16xf32>,
      tpu.vector_store_idx %arg5[%iota3A, %gather3A_116], %gather3A_117 {add = true} : memref<16x1000xf32, #tpu.memory_space<vmem>>[vector<16xi32>, vector<16xi32>], vector<16xf32>,
      %scan3A_118 = arith.constant 5 : i32
      %scan3A_119 = arith.addi %scan3A_95, %scan3A_118 : i32
      %broadcast_in_dim3A_120 = vector.broadcast %scan3A_119 : i32 to vector<16xi32>
      %gather3A_121 = tpu.vector_load_idx %arg9[%iota3A, %broadcast_in_dim3A_120] : memref<16x200xi32, #tpu.memory_space<vmem>>[vector<16xi32>, vector<16xi32>], vector<16xi32>,
      %gather3A_122 = tpu.vector_load_idx %arg7[%iota3A, %broadcast_in_dim3A_120] : memref<16x200xf32, #tpu.memory_space<vmem>>[vector<16xi32>, vector<16xi32>], vector<16xf32>,
      tpu.vector_store_idx %arg5[%iota3A, %gather3A_121], %gather3A_122 {add = true} : memref<16x1000xf32, #tpu.memory_space<vmem>>[vector<16xi32>, vector<16xi32>], vector<16xf32>,
      %scan3A_123 = arith.constant 6 : i32
      %scan3A_124 = arith.addi %scan3A_95, %scan3A_123 : i32
      %broadcast_in_dim3A_125 = vector.broadcast %scan3A_124 : i32 to vector<16xi32>
      %gather3A_126 = tpu.vector_load_idx %arg9[%iota3A, %broadcast_in_dim3A_125] : memref<16x200xi32, #tpu.memory_space<vmem>>[vector<16xi32>, vector<16xi32>], vector<16xi32>,
      %gather3A_127 = tpu.vector_load_idx %arg7[%iota3A, %broadcast_in_dim3A_125] : memref<16x200xf32, #tpu.memory_space<vmem>>[vector<16xi32>, vector<16xi32>], vector<16xf32>,
      tpu.vector_store_idx %arg5[%iota3A, %gather3A_126], %gather3A_127 {add = true} : memref<16x1000xf32, #tpu.memory_space<vmem>>[vector<16xi32>, vector<16xi32>], vector<16xf32>,
      %scan3A_128 = arith.constant 7 : i32
      %scan3A_129 = arith.addi %scan3A_95, %scan3A_128 : i32
      %broadcast_in_dim3A_130 = vector.broadcast %scan3A_129 : i32 to vector<16xi32>
      %gather3A_131 = tpu.vector_load_idx %arg9[%iota3A, %broadcast_in_dim3A_130] : memref<16x200xi32, #tpu.memory_space<vmem>>[vector<16xi32>, vector<16xi32>], vector<16xi32>,
      %gather3A_132 = tpu.vector_load_idx %arg7[%iota3A, %broadcast_in_dim3A_130] : memref<16x200xf32, #tpu.memory_space<vmem>>[vector<16xi32>, vector<16xi32>], vector<16xf32>,
      tpu.vector_store_idx %arg5[%iota3A, %gather3A_131], %gather3A_132 {add = true} : memref<16x1000xf32, #tpu.memory_space<vmem>>[vector<16xi32>, vector<16xi32>], vector<16xf32>,
    }
    %scan3A_52 = arith.constant 200 : i32
    %dma_start3A_53 = arith.constant 0 : i32
    %dma_start3A_54 = tpu.memref_slice %arg4[%mul3A_34, %dma_start3A_53] : memref<1024x1000xf32, #tpu.memory_space<hbm>> -> memref<16x1000xf32, #tpu.memory_space<hbm>>
    %dma_start3A_55 = arith.constant 0 : i32
    %dma_start3A_56 = tpu.memref_slice %arg4[%mul3A_34, %dma_start3A_55] : memref<1024x1000xf32, #tpu.memory_space<hbm>> -> memref<16x1000xf32, #tpu.memory_space<hbm>>
    tpu.enqueue_dma source(%arg5 : memref<16x1000xf32, #tpu.memory_space<vmem>>) target(%dma_start3A_56 : memref<16x1000xf32, #tpu.memory_space<hbm>>) target_semaphore(%arg13 : memref<!tpu.dma_semaphore, #tpu.memory_space<semaphore_mem>>)
    %mul3A_57 = arith.constant 2 : i32
    %mul3A_58 = arith.muli %add3A, %mul3A_57 : i32
    %add3A_59 = arith.constant 1 : i32
    %add3A_60 = arith.addi %mul3A_58, %add3A_59 : i32
    %mul3A_61 = arith.constant 16 : i32
    %mul3A_62 = arith.muli %add3A_60, %mul3A_61 : i32
    %scan3A_63 = arith.constant 0 : i32
    %scan3A_64 = arith.constant 0 : i32
    %scan3A_65 = arith.constant 16 : i32
    %scan3A_66 = arith.addi %scan3A_64, %scan3A_65 : i32
    %scan3A_67 = arith.constant 1 : i32
    scf.for %scan3A_95 = %scan3A_64 to %scan3A_66 step %scan3A_67  : i32 {
      %scan3A_96 = arith.constant 0 : i32
      %scan3A_97 = arith.constant 0 : i32
      %scan3A_98 = arith.constant 56 : i32
      %scan3A_99 = arith.addi %scan3A_97, %scan3A_98 : i32
      %scan3A_100 = arith.constant 8 : i32
      scf.for %scan3A_146 = %scan3A_97 to %scan3A_99 step %scan3A_100  : i32 {
        %mul3A_147 = arith.constant 16 : i32
        %mul3A_148 = arith.muli %scan3A_146, %mul3A_147 : i32
        %swap3A_149 = arith.index_cast %scan3A_95 : i32 to index
        %swap3A_150 = arith.index_cast %mul3A_148 : i32 to index
        %swap3A_151 = tpu.vector_load %arg6[%swap3A_149, %swap3A_150] {strides = array<i32>} : memref<16x1000xf32, #tpu.memory_space<vmem>>, vector<16xf32>,
        tpu.vector_store %arg6[%swap3A_149, %swap3A_150], %broadcast_in_dim3A_1 {strides = array<i32>} : memref<16x1000xf32, #tpu.memory_space<vmem>>, vector<16xf32>,
        %scan3A_152 = arith.constant 1 : i32
        %scan3A_153 = arith.addi %scan3A_146, %scan3A_152 : i32
        %mul3A_154 = arith.constant 16 : i32
        %mul3A_155 = arith.muli %scan3A_153, %mul3A_154 : i32
        %swap3A_156 = arith.index_cast %scan3A_95 : i32 to index
        %swap3A_157 = arith.index_cast %mul3A_155 : i32 to index
        %swap3A_158 = tpu.vector_load %arg6[%swap3A_156, %swap3A_157] {strides = array<i32>} : memref<16x1000xf32, #tpu.memory_space<vmem>>, vector<16xf32>,
        tpu.vector_store %arg6[%swap3A_156, %swap3A_157], %broadcast_in_dim3A_1 {strides = array<i32>} : memref<16x1000xf32, #tpu.memory_space<vmem>>, vector<16xf32>,
        %scan3A_159 = arith.constant 2 : i32
        %scan3A_160 = arith.addi %scan3A_146, %scan3A_159 : i32
        %mul3A_161 = arith.constant 16 : i32
        %mul3A_162 = arith.muli %scan3A_160, %mul3A_161 : i32
        %swap3A_163 = arith.index_cast %scan3A_95 : i32 to index
        %swap3A_164 = arith.index_cast %mul3A_162 : i32 to index
        %swap3A_165 = tpu.vector_load %arg6[%swap3A_163, %swap3A_164] {strides = array<i32>} : memref<16x1000xf32, #tpu.memory_space<vmem>>, vector<16xf32>,
        tpu.vector_store %arg6[%swap3A_163, %swap3A_164], %broadcast_in_dim3A_1 {strides = array<i32>} : memref<16x1000xf32, #tpu.memory_space<vmem>>, vector<16xf32>,
        %scan3A_166 = arith.constant 3 : i32
        %scan3A_167 = arith.addi %scan3A_146, %scan3A_166 : i32
        %mul3A_168 = arith.constant 16 : i32
        %mul3A_169 = arith.muli %scan3A_167, %mul3A_168 : i32
        %swap3A_170 = arith.index_cast %scan3A_95 : i32 to index
        %swap3A_171 = arith.index_cast %mul3A_169 : i32 to index
        %swap3A_172 = tpu.vector_load %arg6[%swap3A_170, %swap3A_171] {strides = array<i32>} : memref<16x1000xf32, #tpu.memory_space<vmem>>, vector<16xf32>,
        tpu.vector_store %arg6[%swap3A_170, %swap3A_171], %broadcast_in_dim3A_1 {strides = array<i32>} : memref<16x1000xf32, #tpu.memory_space<vmem>>, vector<16xf32>,
        %scan3A_173 = arith.constant 4 : i32
        %scan3A_174 = arith.addi %scan3A_146, %scan3A_173 : i32
        %mul3A_175 = arith.constant 16 : i32
        %mul3A_176 = arith.muli %scan3A_174, %mul3A_175 : i32
        %swap3A_177 = arith.index_cast %scan3A_95 : i32 to index
        %swap3A_178 = arith.index_cast %mul3A_176 : i32 to index
        %swap3A_179 = tpu.vector_load %arg6[%swap3A_177, %swap3A_178] {strides = array<i32>} : memref<16x1000xf32, #tpu.memory_space<vmem>>, vector<16xf32>,
        tpu.vector_store %arg6[%swap3A_177, %swap3A_178], %broadcast_in_dim3A_1 {strides = array<i32>} : memref<16x1000xf32, #tpu.memory_space<vmem>>, vector<16xf32>,
        %scan3A_180 = arith.constant 5 : i32
        %scan3A_181 = arith.addi %scan3A_146, %scan3A_180 : i32
        %mul3A_182 = arith.constant 16 : i32
        %mul3A_183 = arith.muli %scan3A_181, %mul3A_182 : i32
        %swap3A_184 = arith.index_cast %scan3A_95 : i32 to index
        %swap3A_185 = arith.index_cast %mul3A_183 : i32 to index
        %swap3A_186 = tpu.vector_load %arg6[%swap3A_184, %swap3A_185] {strides = array<i32>} : memref<16x1000xf32, #tpu.memory_space<vmem>>, vector<16xf32>,
        tpu.vector_store %arg6[%swap3A_184, %swap3A_185], %broadcast_in_dim3A_1 {strides = array<i32>} : memref<16x1000xf32, #tpu.memory_space<vmem>>, vector<16xf32>,
        %scan3A_187 = arith.constant 6 : i32
        %scan3A_188 = arith.addi %scan3A_146, %scan3A_187 : i32
        %mul3A_189 = arith.constant 16 : i32
        %mul3A_190 = arith.muli %scan3A_188, %mul3A_189 : i32
        %swap3A_191 = arith.index_cast %scan3A_95 : i32 to index
        %swap3A_192 = arith.index_cast %mul3A_190 : i32 to index
        %swap3A_193 = tpu.vector_load %arg6[%swap3A_191, %swap3A_192] {strides = array<i32>} : memref<16x1000xf32, #tpu.memory_space<vmem>>, vector<16xf32>,
        tpu.vector_store %arg6[%swap3A_191, %swap3A_192], %broadcast_in_dim3A_1 {strides = array<i32>} : memref<16x1000xf32, #tpu.memory_space<vmem>>, vector<16xf32>,
        %scan3A_194 = arith.constant 7 : i32
        %scan3A_195 = arith.addi %scan3A_146, %scan3A_194 : i32
        %mul3A_196 = arith.constant 16 : i32
        %mul3A_197 = arith.muli %scan3A_195, %mul3A_196 : i32
        %swap3A_198 = arith.index_cast %scan3A_95 : i32 to index
        %swap3A_199 = arith.index_cast %mul3A_197 : i32 to index
        %swap3A_200 = tpu.vector_load %arg6[%swap3A_198, %swap3A_199] {strides = array<i32>} : memref<16x1000xf32, #tpu.memory_space<vmem>>, vector<16xf32>,
        tpu.vector_store %arg6[%swap3A_198, %swap3A_199], %broadcast_in_dim3A_1 {strides = array<i32>} : memref<16x1000xf32, #tpu.memory_space<vmem>>, vector<16xf32>,
      }
      %scan3A_101 = arith.constant 56 : i32
      %scan3A_102 = arith.addi %scan3A_97, %scan3A_101 : i32
      %mul3A_103 = arith.constant 16 : i32
      %mul3A_104 = arith.muli %scan3A_102, %mul3A_103 : i32
      %swap3A = arith.index_cast %scan3A_95 : i32 to index
      %swap3A_105 = arith.index_cast %mul3A_104 : i32 to index
      %swap3A_106 = tpu.vector_load %arg6[%swap3A, %swap3A_105] {strides = array<i32>} : memref<16x1000xf32, #tpu.memory_space<vmem>>, vector<16xf32>,
      tpu.vector_store %arg6[%swap3A, %swap3A_105], %broadcast_in_dim3A_1 {strides = array<i32>} : memref<16x1000xf32, #tpu.memory_space<vmem>>, vector<16xf32>,
      %scan3A_107 = arith.constant 57 : i32
      %scan3A_108 = arith.addi %scan3A_97, %scan3A_107 : i32
      %mul3A_109 = arith.constant 16 : i32
      %mul3A_110 = arith.muli %scan3A_108, %mul3A_109 : i32
      %swap3A_111 = arith.index_cast %scan3A_95 : i32 to index
      %swap3A_112 = arith.index_cast %mul3A_110 : i32 to index
      %swap3A_113 = tpu.vector_load %arg6[%swap3A_111, %swap3A_112] {strides = array<i32>} : memref<16x1000xf32, #tpu.memory_space<vmem>>, vector<16xf32>,
      tpu.vector_store %arg6[%swap3A_111, %swap3A_112], %broadcast_in_dim3A_1 {strides = array<i32>} : memref<16x1000xf32, #tpu.memory_space<vmem>>, vector<16xf32>,
      %scan3A_114 = arith.constant 58 : i32
      %scan3A_115 = arith.addi %scan3A_97, %scan3A_114 : i32
      %mul3A_116 = arith.constant 16 : i32
      %mul3A_117 = arith.muli %scan3A_115, %mul3A_116 : i32
      %swap3A_118 = arith.index_cast %scan3A_95 : i32 to index
      %swap3A_119 = arith.index_cast %mul3A_117 : i32 to index
      %swap3A_120 = tpu.vector_load %arg6[%swap3A_118, %swap3A_119] {strides = array<i32>} : memref<16x1000xf32, #tpu.memory_space<vmem>>, vector<16xf32>,
      tpu.vector_store %arg6[%swap3A_118, %swap3A_119], %broadcast_in_dim3A_1 {strides = array<i32>} : memref<16x1000xf32, #tpu.memory_space<vmem>>, vector<16xf32>,
      %scan3A_121 = arith.constant 59 : i32
      %scan3A_122 = arith.addi %scan3A_97, %scan3A_121 : i32
      %mul3A_123 = arith.constant 16 : i32
      %mul3A_124 = arith.muli %scan3A_122, %mul3A_123 : i32
      %swap3A_125 = arith.index_cast %scan3A_95 : i32 to index
      %swap3A_126 = arith.index_cast %mul3A_124 : i32 to index
      %swap3A_127 = tpu.vector_load %arg6[%swap3A_125, %swap3A_126] {strides = array<i32>} : memref<16x1000xf32, #tpu.memory_space<vmem>>, vector<16xf32>,
      tpu.vector_store %arg6[%swap3A_125, %swap3A_126], %broadcast_in_dim3A_1 {strides = array<i32>} : memref<16x1000xf32, #tpu.memory_space<vmem>>, vector<16xf32>,
      %scan3A_128 = arith.constant 60 : i32
      %scan3A_129 = arith.addi %scan3A_97, %scan3A_128 : i32
      %mul3A_130 = arith.constant 16 : i32
      %mul3A_131 = arith.muli %scan3A_129, %mul3A_130 : i32
      %swap3A_132 = arith.index_cast %scan3A_95 : i32 to index
      %swap3A_133 = arith.index_cast %mul3A_131 : i32 to index
      %swap3A_134 = tpu.vector_load %arg6[%swap3A_132, %swap3A_133] {strides = array<i32>} : memref<16x1000xf32, #tpu.memory_space<vmem>>, vector<16xf32>,
      tpu.vector_store %arg6[%swap3A_132, %swap3A_133], %broadcast_in_dim3A_1 {strides = array<i32>} : memref<16x1000xf32, #tpu.memory_space<vmem>>, vector<16xf32>,
      %scan3A_135 = arith.constant 61 : i32
      %scan3A_136 = arith.addi %scan3A_97, %scan3A_135 : i32
      %mul3A_137 = arith.constant 16 : i32
      %mul3A_138 = arith.muli %scan3A_136, %mul3A_137 : i32
      %swap3A_139 = arith.index_cast %scan3A_95 : i32 to index
      %swap3A_140 = arith.index_cast %mul3A_138 : i32 to index
      %swap3A_141 = tpu.vector_load %arg6[%swap3A_139, %swap3A_140] {strides = array<i32>} : memref<16x1000xf32, #tpu.memory_space<vmem>>, vector<16xf32>,
      tpu.vector_store %arg6[%swap3A_139, %swap3A_140], %broadcast_in_dim3A_1 {strides = array<i32>} : memref<16x1000xf32, #tpu.memory_space<vmem>>, vector<16xf32>,
      %scan3A_142 = arith.constant 62 : i32
      %swap3A_143 = arith.index_cast %scan3A_95 : i32 to index
      %swap3A_144 = arith.constant 984 : index
      %swap3A_145 = tpu.vector_load %arg6[%swap3A_143, %swap3A_144] {strides = array<i32>} : memref<16x1000xf32, #tpu.memory_space<vmem>>, vector<16xf32>,
      tpu.vector_store %arg6[%swap3A_143, %swap3A_144], %broadcast_in_dim3A_1 {strides = array<i32>} : memref<16x1000xf32, #tpu.memory_space<vmem>>, vector<16xf32>,
    }
    %scan3A_68 = arith.constant 16 : i32
    %dma_wait3A_69 = arith.constant 0 : i32
    %dma_wait3A_70 = tpu.memref_slice %arg2[%mul3A_20, %dma_wait3A_69] : memref<1024x200xf32, #tpu.memory_space<hbm>> -> memref<16x200xf32, #tpu.memory_space<hbm>>
    %dma_wait3A_71 = arith.constant 0 : i32
    %dma_wait3A_72 = tpu.memref_slice %arg2[%mul3A_20, %dma_wait3A_71] : memref<1024x200xf32, #tpu.memory_space<hbm>> -> memref<16x200xf32, #tpu.memory_space<hbm>>
    tpu.wait_dma2 semaphore(%arg12 : memref<!tpu.dma_semaphore, #tpu.memory_space<semaphore_mem>>) src(%dma_wait3A_72 : memref<16x200xf32, #tpu.memory_space<hbm>>) dst(%arg8 : memref<16x200xf32, #tpu.memory_space<vmem>>)
    %dma_wait3A_73 = arith.constant 0 : i32
    %dma_wait3A_74 = tpu.memref_slice %arg3[%mul3A_20, %dma_wait3A_73] : memref<1024x200xi32, #tpu.memory_space<hbm>> -> memref<16x200xi32, #tpu.memory_space<hbm>>
    %dma_wait3A_75 = arith.constant 0 : i32
    %dma_wait3A_76 = tpu.memref_slice %arg3[%mul3A_20, %dma_wait3A_75] : memref<1024x200xi32, #tpu.memory_space<hbm>> -> memref<16x200xi32, #tpu.memory_space<hbm>>
    tpu.wait_dma2 semaphore(%arg12 : memref<!tpu.dma_semaphore, #tpu.memory_space<semaphore_mem>>) src(%dma_wait3A_76 : memref<16x200xi32, #tpu.memory_space<hbm>>) dst(%arg10 : memref<16x200xi32, #tpu.memory_space<vmem>>)
    %scan3A_77 = arith.constant 0 : i32
    %scan3A_78 = arith.constant 0 : i32
    %scan3A_79 = arith.constant 200 : i32
    %scan3A_80 = arith.addi %scan3A_78, %scan3A_79 : i32
    %scan3A_81 = arith.constant 8 : i32
    scf.for %scan3A_95 = %scan3A_78 to %scan3A_80 step %scan3A_81  : i32 {
      %broadcast_in_dim3A_96 = vector.broadcast %scan3A_95 : i32 to vector<16xi32>
      %gather3A = tpu.vector_load_idx %arg10[%iota3A, %broadcast_in_dim3A_96] : memref<16x200xi32, #tpu.memory_space<vmem>>[vector<16xi32>, vector<16xi32>], vector<16xi32>,
      %gather3A_97 = tpu.vector_load_idx %arg8[%iota3A, %broadcast_in_dim3A_96] : memref<16x200xf32, #tpu.memory_space<vmem>>[vector<16xi32>, vector<16xi32>], vector<16xf32>,
      tpu.vector_store_idx %arg6[%iota3A, %gather3A], %gather3A_97 {add = true} : memref<16x1000xf32, #tpu.memory_space<vmem>>[vector<16xi32>, vector<16xi32>], vector<16xf32>,
      %scan3A_98 = arith.constant 1 : i32
      %scan3A_99 = arith.addi %scan3A_95, %scan3A_98 : i32
      %broadcast_in_dim3A_100 = vector.broadcast %scan3A_99 : i32 to vector<16xi32>
      %gather3A_101 = tpu.vector_load_idx %arg10[%iota3A, %broadcast_in_dim3A_100] : memref<16x200xi32, #tpu.memory_space<vmem>>[vector<16xi32>, vector<16xi32>], vector<16xi32>,
      %gather3A_102 = tpu.vector_load_idx %arg8[%iota3A, %broadcast_in_dim3A_100] : memref<16x200xf32, #tpu.memory_space<vmem>>[vector<16xi32>, vector<16xi32>], vector<16xf32>,
      tpu.vector_store_idx %arg6[%iota3A, %gather3A_101], %gather3A_102 {add = true} : memref<16x1000xf32, #tpu.memory_space<vmem>>[vector<16xi32>, vector<16xi32>], vector<16xf32>,
      %scan3A_103 = arith.constant 2 : i32
      %scan3A_104 = arith.addi %scan3A_95, %scan3A_103 : i32
      %broadcast_in_dim3A_105 = vector.broadcast %scan3A_104 : i32 to vector<16xi32>
      %gather3A_106 = tpu.vector_load_idx %arg10[%iota3A, %broadcast_in_dim3A_105] : memref<16x200xi32, #tpu.memory_space<vmem>>[vector<16xi32>, vector<16xi32>], vector<16xi32>,
      %gather3A_107 = tpu.vector_load_idx %arg8[%iota3A, %broadcast_in_dim3A_105] : memref<16x200xf32, #tpu.memory_space<vmem>>[vector<16xi32>, vector<16xi32>], vector<16xf32>,
      tpu.vector_store_idx %arg6[%iota3A, %gather3A_106], %gather3A_107 {add = true} : memref<16x1000xf32, #tpu.memory_space<vmem>>[vector<16xi32>, vector<16xi32>], vector<16xf32>,
      %scan3A_108 = arith.constant 3 : i32
      %scan3A_109 = arith.addi %scan3A_95, %scan3A_108 : i32
      %broadcast_in_dim3A_110 = vector.broadcast %scan3A_109 : i32 to vector<16xi32>
      %gather3A_111 = tpu.vector_load_idx %arg10[%iota3A, %broadcast_in_dim3A_110] : memref<16x200xi32, #tpu.memory_space<vmem>>[vector<16xi32>, vector<16xi32>], vector<16xi32>,
      %gather3A_112 = tpu.vector_load_idx %arg8[%iota3A, %broadcast_in_dim3A_110] : memref<16x200xf32, #tpu.memory_space<vmem>>[vector<16xi32>, vector<16xi32>], vector<16xf32>,
      tpu.vector_store_idx %arg6[%iota3A, %gather3A_111], %gather3A_112 {add = true} : memref<16x1000xf32, #tpu.memory_space<vmem>>[vector<16xi32>, vector<16xi32>], vector<16xf32>,
      %scan3A_113 = arith.constant 4 : i32
      %scan3A_114 = arith.addi %scan3A_95, %scan3A_113 : i32
      %broadcast_in_dim3A_115 = vector.broadcast %scan3A_114 : i32 to vector<16xi32>
      %gather3A_116 = tpu.vector_load_idx %arg10[%iota3A, %broadcast_in_dim3A_115] : memref<16x200xi32, #tpu.memory_space<vmem>>[vector<16xi32>, vector<16xi32>], vector<16xi32>,
      %gather3A_117 = tpu.vector_load_idx %arg8[%iota3A, %broadcast_in_dim3A_115] : memref<16x200xf32, #tpu.memory_space<vmem>>[vector<16xi32>, vector<16xi32>], vector<16xf32>,
      tpu.vector_store_idx %arg6[%iota3A, %gather3A_116], %gather3A_117 {add = true} : memref<16x1000xf32, #tpu.memory_space<vmem>>[vector<16xi32>, vector<16xi32>], vector<16xf32>,
      %scan3A_118 = arith.constant 5 : i32
      %scan3A_119 = arith.addi %scan3A_95, %scan3A_118 : i32
      %broadcast_in_dim3A_120 = vector.broadcast %scan3A_119 : i32 to vector<16xi32>
      %gather3A_121 = tpu.vector_load_idx %arg10[%iota3A, %broadcast_in_dim3A_120] : memref<16x200xi32, #tpu.memory_space<vmem>>[vector<16xi32>, vector<16xi32>], vector<16xi32>,
      %gather3A_122 = tpu.vector_load_idx %arg8[%iota3A, %broadcast_in_dim3A_120] : memref<16x200xf32, #tpu.memory_space<vmem>>[vector<16xi32>, vector<16xi32>], vector<16xf32>,
      tpu.vector_store_idx %arg6[%iota3A, %gather3A_121], %gather3A_122 {add = true} : memref<16x1000xf32, #tpu.memory_space<vmem>>[vector<16xi32>, vector<16xi32>], vector<16xf32>,
      %scan3A_123 = arith.constant 6 : i32
      %scan3A_124 = arith.addi %scan3A_95, %scan3A_123 : i32
      %broadcast_in_dim3A_125 = vector.broadcast %scan3A_124 : i32 to vector<16xi32>
      %gather3A_126 = tpu.vector_load_idx %arg10[%iota3A, %broadcast_in_dim3A_125] : memref<16x200xi32, #tpu.memory_space<vmem>>[vector<16xi32>, vector<16xi32>], vector<16xi32>,
      %gather3A_127 = tpu.vector_load_idx %arg8[%iota3A, %broadcast_in_dim3A_125] : memref<16x200xf32, #tpu.memory_space<vmem>>[vector<16xi32>, vector<16xi32>], vector<16xf32>,
      tpu.vector_store_idx %arg6[%iota3A, %gather3A_126], %gather3A_127 {add = true} : memref<16x1000xf32, #tpu.memory_space<vmem>>[vector<16xi32>, vector<16xi32>], vector<16xf32>,
      %scan3A_128 = arith.constant 7 : i32
      %scan3A_129 = arith.addi %scan3A_95, %scan3A_128 : i32
      %broadcast_in_dim3A_130 = vector.broadcast %scan3A_129 : i32 to vector<16xi32>
      %gather3A_131 = tpu.vector_load_idx %arg10[%iota3A, %broadcast_in_dim3A_130] : memref<16x200xi32, #tpu.memory_space<vmem>>[vector<16xi32>, vector<16xi32>], vector<16xi32>,
      %gather3A_132 = tpu.vector_load_idx %arg8[%iota3A, %broadcast_in_dim3A_130] : memref<16x200xf32, #tpu.memory_space<vmem>>[vector<16xi32>, vector<16xi32>], vector<16xf32>,
      tpu.vector_store_idx %arg6[%iota3A, %gather3A_131], %gather3A_132 {add = true} : memref<16x1000xf32, #tpu.memory_space<vmem>>[vector<16xi32>, vector<16xi32>], vector<16xf32>,
    }
    %scan3A_82 = arith.constant 200 : i32
    %dma_start3A_83 = arith.constant 0 : i32
    %dma_start3A_84 = tpu.memref_slice %arg4[%mul3A_62, %dma_start3A_83] : memref<1024x1000xf32, #tpu.memory_space<hbm>> -> memref<16x1000xf32, #tpu.memory_space<hbm>>
    %dma_start3A_85 = arith.constant 0 : i32
    %dma_start3A_86 = tpu.memref_slice %arg4[%mul3A_62, %dma_start3A_85] : memref<1024x1000xf32, #tpu.memory_space<hbm>> -> memref<16x1000xf32, #tpu.memory_space<hbm>>
    tpu.enqueue_dma source(%arg6 : memref<16x1000xf32, #tpu.memory_space<vmem>>) target(%dma_start3A_86 : memref<16x1000xf32, #tpu.memory_space<hbm>>) target_semaphore(%arg14 : memref<!tpu.dma_semaphore, #tpu.memory_space<semaphore_mem>>)
    %dma_wait3A_87 = arith.constant 0 : i32
    %dma_wait3A_88 = tpu.memref_slice %arg4[%mul3A_34, %dma_wait3A_87] : memref<1024x1000xf32, #tpu.memory_space<hbm>> -> memref<16x1000xf32, #tpu.memory_space<hbm>>
    %dma_wait3A_89 = arith.constant 0 : i32
    %dma_wait3A_90 = tpu.memref_slice %arg4[%mul3A_34, %dma_wait3A_89] : memref<1024x1000xf32, #tpu.memory_space<hbm>> -> memref<16x1000xf32, #tpu.memory_space<hbm>>
    tpu.wait_dma2 semaphore(%arg13 : memref<!tpu.dma_semaphore, #tpu.memory_space<semaphore_mem>>) src(%arg5 : memref<16x1000xf32, #tpu.memory_space<vmem>>) dst(%dma_wait3A_90 : memref<16x1000xf32, #tpu.memory_space<hbm>>)
    %dma_wait3A_91 = arith.constant 0 : i32
    %dma_wait3A_92 = tpu.memref_slice %arg4[%mul3A_62, %dma_wait3A_91] : memref<1024x1000xf32, #tpu.memory_space<hbm>> -> memref<16x1000xf32, #tpu.memory_space<hbm>>
    %dma_wait3A_93 = arith.constant 0 : i32
    %dma_wait3A_94 = tpu.memref_slice %arg4[%mul3A_62, %dma_wait3A_93] : memref<1024x1000xf32, #tpu.memory_space<hbm>> -> memref<16x1000xf32, #tpu.memory_space<hbm>>
    tpu.wait_dma2 semaphore(%arg14 : memref<!tpu.dma_semaphore, #tpu.memory_space<semaphore_mem>>) src(%arg6 : memref<16x1000xf32, #tpu.memory_space<vmem>>) dst(%dma_wait3A_94 : memref<16x1000xf32, #tpu.memory_space<hbm>>)
    return
  }
}

module attributes {stable_mosaic.version = 14 : i64} {
  func.func @_gate_body(%arg0: memref<1024x512xf32, #tpu.memory_space<vmem>>, %arg1: memref<1024x512xf32, #tpu.memory_space<vmem>>, %arg2: memref<512x1024xf32, #tpu.memory_space<vmem>>, %arg3: memref<1x512xf32, #tpu.memory_space<vmem>>, %arg4: memref<128x512xf32, #tpu.memory_space<vmem>>, %arg5: memref<1x1xf32, #tpu.memory_space<vmem>>, %arg6: memref<1024x128xf32, #tpu.memory_space<vmem>>) attributes {dimension_semantics = [], scalar_prefetch = 0 : i64, scratch_operands = 0 : i64, tpu.core_type = #tpu.core_type<tc>} {
    %get3A = arith.constant 0 : index
    %get3A_0 = arith.constant 0 : index
    %get3A_1 = vector.load %arg2[%get3A, %get3A_0] : memref<512x1024xf32, #tpu.memory_space<vmem>>, vector<512x1024xf32>
    %get3A_2 = arith.constant 0 : index
    %get3A_3 = arith.constant 0 : index
    %get3A_4 = vector.load %arg0[%get3A_2, %get3A_3] : memref<1024x512xf32, #tpu.memory_space<vmem>>, vector<1024x512xf32>
    %slice3A = vector.extract_strided_slice %get3A_1 {offsets = [0, 0], sizes = [512, 512], strides = [1, 1]} : vector<512x1024xf32> to vector<512x512xf32>
    %dot_general3A = arith.constant dense<0.000000e+00> : vector<1024x512xf32>
    %dot_general3A_5 = tpu.matmul %get3A_4, %slice3A, %dot_general3A {dimension_numbers = #tpu.dot_dimension_numbers<[1], [1], [0], [0], [0, 0, 1, 0], [], []>, transpose_lhs_hint = false} : vector<1024x512xf32>, vector<512x512xf32>, vector<1024x512xf32> -> vector<1024x512xf32>
    %get3A_6 = arith.constant 0 : index
    %get3A_7 = arith.constant 0 : index
    %get3A_8 = vector.load %arg1[%get3A_6, %get3A_7] : memref<1024x512xf32, #tpu.memory_space<vmem>>, vector<1024x512xf32>
    %slice3A_9 = vector.extract_strided_slice %get3A_1 {offsets = [0, 512], sizes = [512, 512], strides = [1, 1]} : vector<512x1024xf32> to vector<512x512xf32>
    %dot_general3A_10 = arith.constant dense<0.000000e+00> : vector<1024x512xf32>
    %dot_general3A_11 = tpu.matmul %get3A_8, %slice3A_9, %dot_general3A_10 {dimension_numbers = #tpu.dot_dimension_numbers<[1], [1], [0], [0], [0, 0, 1, 0], [], []>, transpose_lhs_hint = false} : vector<1024x512xf32>, vector<512x512xf32>, vector<1024x512xf32> -> vector<1024x512xf32>
    %add3A = arith.addf %dot_general3A_5, %dot_general3A_11 : vector<1024x512xf32>
    %get3A_12 = arith.constant 0 : index
    %get3A_13 = arith.constant 0 : index
    %get3A_14 = vector.load %arg3[%get3A_12, %get3A_13] : memref<1x512xf32, #tpu.memory_space<vmem>>, vector<1x512xf32>
    %add3A_15 = vector.broadcast %get3A_14 : vector<1x512xf32> to vector<1024x512xf32>
    %add3A_16 = arith.addf %add3A, %add3A_15 : vector<1024x512xf32>
    %tanh3A = math.tanh %add3A_16 : vector<1024x512xf32>
    %get3A_17 = arith.constant 0 : index
    %get3A_18 = arith.constant 0 : index
    %get3A_19 = vector.load %arg4[%get3A_17, %get3A_18] : memref<128x512xf32, #tpu.memory_space<vmem>>, vector<128x512xf32>
    %dot_general3A_20 = arith.constant dense<0.000000e+00> : vector<1024x128xf32>
    %dot_general3A_21 = tpu.matmul %tanh3A, %get3A_19, %dot_general3A_20 {dimension_numbers = #tpu.dot_dimension_numbers<[1], [1], [0], [0], [0, 0, 1, 0], [], []>, transpose_lhs_hint = false} : vector<1024x512xf32>, vector<128x512xf32>, vector<1024x128xf32> -> vector<1024x128xf32>
    %get3A_22 = arith.constant 0 : index
    %get3A_23 = arith.constant 0 : index
    %get3A_24 = vector.load %arg5[%get3A_22, %get3A_23] : memref<1x1xf32, #tpu.memory_space<vmem>>, vector<1x1xf32>
    %get3A_25 = vector.extract %get3A_24[0, 0] : f32 from vector<1x1xf32>
    %add3A_26 = vector.broadcast %get3A_25 : f32 to vector<1024x128xf32>
    %add3A_27 = arith.addf %dot_general3A_21, %add3A_26 : vector<1024x128xf32>
    %logistic3A = arith.negf %add3A_27 : vector<1024x128xf32>
    %logistic3A_28 = math.exp %logistic3A : vector<1024x128xf32>
    %logistic3A_29 = arith.constant 1.000000e+00 : f32
    %logistic3A_30 = vector.broadcast %logistic3A_29 : f32 to vector<1024x128xf32>
    %logistic3A_31 = arith.addf %logistic3A_30, %logistic3A_28 : vector<1024x128xf32>
    %logistic3A_32 = arith.divf %logistic3A_30, %logistic3A_31 : vector<1024x128xf32>
    %swap3A = arith.constant 0 : index
    %swap3A_33 = arith.constant 0 : index
    %swap3A_34 = vector.load %arg6[%swap3A, %swap3A_33] : memref<1024x128xf32, #tpu.memory_space<vmem>>, vector<1024x128xf32>
    tpu.vector_store %arg6[%swap3A, %swap3A_33], %logistic3A_32 {strides = array<i32>} : memref<1024x128xf32, #tpu.memory_space<vmem>>, vector<1024x128xf32>,
    return
  }
}

module attributes {stable_mosaic.version = 14 : i64} {
  func.func @_combine_body(%arg0: i32, %arg1: memref<512x1000xf32, #tpu.memory_space<vmem>>, %arg2: memref<512x1000xf32, #tpu.memory_space<vmem>>, %arg3: memref<512x128xf32, #tpu.memory_space<vmem>>, %arg4: memref<512x1000xf32, #tpu.memory_space<vmem>>) attributes {dimension_semantics = [#tpu.dimension_semantics<arbitrary>], iteration_bounds = array<i64: 2>, scalar_prefetch = 0 : i64, scratch_operands = 0 : i64, tpu.core_type = #tpu.core_type<tc>, window_params = [{transform_indices = @transform_0, window_bounds = array<i64: 512, 1000>}, {transform_indices = @transform_1, window_bounds = array<i64: 512, 1000>}, {transform_indices = @transform_2, window_bounds = array<i64: 512, 128>}, {transform_indices = @transform_3, window_bounds = array<i64: 512, 1000>}]} {
    %get3A = arith.constant 0 : index
    %get3A_0 = arith.constant 0 : index
    %get3A_1 = vector.load %arg1[%get3A, %get3A_0] : memref<512x1000xf32, #tpu.memory_space<vmem>>, vector<512x1000xf32>
    %get3A_2 = arith.constant 0 : index
    %get3A_3 = arith.constant 0 : index
    %get3A_4 = vector.load %arg2[%get3A_2, %get3A_3] : memref<512x1000xf32, #tpu.memory_space<vmem>>, vector<512x1000xf32>
    %get3A_5 = arith.constant 0 : index
    %get3A_6 = arith.constant 0 : index
    %get3A_7 = vector.load %arg3[%get3A_5, %get3A_6] : memref<512x128xf32, #tpu.memory_space<vmem>>, vector<512x1xf32>
    %reduce_sum3A = arith.constant dense<0.000000e+00> : vector<512xf32>
    %reduce_sum3A_8 = vector.multi_reduction <add>, %get3A_1, %reduce_sum3A [1] : vector<512x1000xf32> to vector<512xf32>
    %broadcast_in_dim3A = vector.shape_cast %reduce_sum3A_8 : vector<512xf32> to vector<512x1xf32>
    %reduce_sum3A_9 = arith.constant dense<0.000000e+00> : vector<512xf32>
    %reduce_sum3A_10 = vector.multi_reduction <add>, %get3A_4, %reduce_sum3A_9 [1] : vector<512x1000xf32> to vector<512xf32>
    %broadcast_in_dim3A_11 = vector.shape_cast %reduce_sum3A_10 : vector<512xf32> to vector<512x1xf32>
    %sub3A = arith.constant 1.000000e+00 : f32
    %sub3A_12 = vector.broadcast %sub3A : f32 to vector<512x1xf32>
    %sub3A_13 = arith.subf %sub3A_12, %get3A_7 : vector<512x1xf32>
    %mul3A = arith.mulf %sub3A_13, %broadcast_in_dim3A : vector<512x1xf32>
    %mul3A_14 = arith.mulf %get3A_7, %broadcast_in_dim3A_11 : vector<512x1xf32>
    %add3A = arith.addf %mul3A, %mul3A_14 : vector<512x1xf32>
    %add3A_15 = arith.constant 1.000000e-10 : f32
    %add3A_16 = vector.broadcast %add3A_15 : f32 to vector<512x1xf32>
    %add3A_17 = arith.addf %add3A, %add3A_16 : vector<512x1xf32>
    %div3A = arith.constant 1.000000e+00 : f32
    %div3A_18 = vector.broadcast %div3A : f32 to vector<512x1xf32>
    %div3A_19 = arith.divf %div3A_18, %add3A_17 : vector<512x1xf32>
    %sub3A_20 = arith.constant 1.000000e+00 : f32
    %sub3A_21 = vector.broadcast %sub3A_20 : f32 to vector<512x1xf32>
    %sub3A_22 = arith.subf %sub3A_21, %get3A_7 : vector<512x1xf32>
    %mul3A_23 = vector.broadcast %sub3A_22 : vector<512x1xf32> to vector<512x1000xf32>
    %mul3A_24 = arith.mulf %get3A_1, %mul3A_23 : vector<512x1000xf32>
    %mul3A_25 = vector.broadcast %get3A_7 : vector<512x1xf32> to vector<512x1000xf32>
    %mul3A_26 = arith.mulf %mul3A_25, %get3A_4 : vector<512x1000xf32>
    %add3A_27 = arith.addf %mul3A_24, %mul3A_26 : vector<512x1000xf32>
    %mul3A_28 = vector.broadcast %div3A_19 : vector<512x1xf32> to vector<512x1000xf32>
    %mul3A_29 = arith.mulf %add3A_27, %mul3A_28 : vector<512x1000xf32>
    %swap3A = arith.constant 0 : index
    %swap3A_30 = arith.constant 0 : index
    %swap3A_31 = vector.load %arg4[%swap3A, %swap3A_30] : memref<512x1000xf32, #tpu.memory_space<vmem>>, vector<512x1000xf32>
    tpu.vector_store %arg4[%swap3A, %swap3A_30], %mul3A_29 {strides = array<i32>} : memref<512x1000xf32, #tpu.memory_space<vmem>>, vector<512x1000xf32>,
    return
  }
  func.func @transform_0(%arg0: i32) -> (i32, i32) {
    %c0_i32 = arith.constant 0 : i32
    %c0_i32_0 = arith.constant 0 : i32
    return %arg0, %c0_i32 : i32, i32
  }
  func.func @transform_1(%arg0: i32) -> (i32, i32) {
    %c0_i32 = arith.constant 0 : i32
    %c0_i32_0 = arith.constant 0 : i32
    return %arg0, %c0_i32 : i32, i32
  }
  func.func @transform_2(%arg0: i32) -> (i32, i32) {
    %c0_i32 = arith.constant 0 : i32
    %c0_i32_0 = arith.constant 0 : i32
    return %arg0, %c0_i32 : i32, i32
  }
  func.func @transform_3(%arg0: i32) -> (i32, i32) {
    %c0_i32 = arith.constant 0 : i32
    %c0_i32_0 = arith.constant 0 : i32
    return %arg0, %c0_i32 : i32, i32
  }
}

</mosaic_0001>

<sc_bundles>
// kernel: kernel.5.cloned.1.call-start
scs
__scs_entry_jumppad:
0x0: {  	(pc) =	sbr.rel $0x88, $3  }
0x1: {  	(tag) =	ssettag $0x0;
	lr =	simm.s32 $0x1  }
0x2: {  	[smem:$0x3F98] =	sst lr;
	_ =	strace $0xD0000000  }
0x3: {  	_ = 	snop  }
0x4: {  	_ = 	snop  }
0x5: {  	_ = 	snop  }
0x6: {  	_ = 	snop  }
0x7: {  	_ = 	snop  }
__scs_overlays_trampoline_lowered:
0x8: {  	[smem:$0x3FA7] =	sst s0  }
0x9: {  	[smem:$0x3FA8] =	sst s1  }
0xa: {  	[smem:$0x3FA9] =	sst s2  }
0xb: {  	[smem:$0x3FAA] =	sst s3  }
0xc: {  	[smem:$0x3FAB] =	sst s4  }
0xd: {  	[smem:$0x3FAC] =	sst s5  }
0xe: {  	[smem:$0x3FAD] =	sst s6  }
0xf: {  	[smem:$0x3FAE] =	sst s7  }
0x10: {  	[smem:$0x3FAF] =	sst s8  }
0x11: {  	[smem:$0x3FB0] =	sst s9;
	s0 =	simm.s32 @!p0 $0x0  }
0x12: {  	s1 =	sld [smem:$0x3F96];
	s0 =	simm.s32 @p0 $0x1  }
0x13: {  	[smem:$0x3FB1] =	sst s0;
	s0 =	simm.s32 @!p1 $0x0  }
0x14: {  	s2 =	sld [smem:$0x3F95];
	s0 =	simm.s32 @p1 $0x1  }
0x15: {  	[smem:$0x3FB2] =	sst s0;
	s0 =	simm.s32 @!p2 $0x0  }
0x16: {  	s3 =	sld [smem:$0x3FDB];
	s0 =	simm.s32 @p2 $0x1  }
0x17: {  	s4 =	simm.s32 $0x1BF5;
	[smem:$0x3FB4] =	sst s0  }
0x18: {  	s0 =	sld [smem:$0x3F97];
	_ =	swait.ge [sflag:s4], $0x0  }
0x19: {  	s7 =	sld [smem:$0x3F98]  }
0x1a: {  	s8 =	sadd.s32 $0xFFFFE003, lr  }
0x1b: {  	s9 =	sadd.s32 $0xFFFFFEF7, lr;
	s5 =	simm.s32 $0xFFFFFFFF;
	p2 =	slt.u32 s8, $0xFFFFF086  }
0x1c: {  	p1 =	slt.u32 s9, $0xF7A;
	s5 =	simm.s32 @!p2 $0x0  }
0x1d: {  	s5 =	simm.s32 @p1 $0x1;
	p0 =	seq.s32 s7, s2  }
0x1e: {  	s7 =	smul.u32 @!p0 $0xF7A, s2;
	p2 =	seq.s32 @!p0 s5, $0x0  }
0x1f: {  	s9 =	smul.u32 $0xF7A, s1;
	s8 =	simm.s32 @!p0 $0x1BF5;
	p2 =	por !p2, p0  }
0x20: {  	[sflag:s8] =	ssyncset.s32 @!p0 $0xFFFFF086;
	s6 =	sadd.s32 @!p0 s3, s7;
	s7 =	simm.s32 @!p0 $0x108  }
0x21: {  	s3 =	sadd.s32 s3, s9;
	s6 =	sadd.s32 @!p0 $0x88, s6;
	s7 =	simm.s32 @p2 $0x1082  }
0x22: {  	[simem:s7], [sflag:s8] =	dma.local @!p0 [hbm:s6], $0xF7A  }
0x23: {  	s9 =	sor.u32 $0xD0000000, s2;
	s6 =	simm.s32 $0x108;
	_ =	swait.ge @!p0 [sflag:s8], $0x0  }
0x24: {  	s3 =	sadd.s32 $0x88, s3;
	s6 =	simm.s32 @!p1 $0x1082;
	[sflag:s4] =	ssyncset.s32 $0xFFFFF086  }
0x25: {  	[simem:s6], [sflag:s4] =	dma.local [hbm:s3], $0xF7A  }
0x26: {  	[smem:$0x3F98] =	sst s1;
	(tag) =	ssettag s2;
	_ =	strace s9  }
0x27: {  	s1 =	sld [smem:$0x3FA8]  }
0x28: {  	s2 =	sld [smem:$0x3FA9]  }
0x29: {  	s4 =	sld [smem:$0x3FAB]  }
0x2a: {  	p0 =	seq.s32 s5, $0x0;
	s5 =	sld [smem:$0x3FAC]  }
0x2b: {  	s6 =	sld [smem:$0x3FAD]  }
0x2c: {  	s7 =	sld [smem:$0x3FAE]  }
0x2d: {  	s3 =	simm.s32 $0x108;
	s8 =	sld [smem:$0x3FAF]  }
0x2e: {  	s3 =	simm.s32 @!p0 $0x1082;
	s9 =	sld [smem:$0x3FB0]  }
0x2f: {  	lr =	sadd.s32 s0, s3;
	s0 =	sld [smem:$0x3FA7]  }
0x30: {  	s3 =	sld [smem:$0x3FAA]  }
0x31: {  	[smem:$0x3FB3] =	sst s10  }
0x32: {  	s10 =	sld [smem:$0x3FB1];
	_ =	sdelay $0x3  }
0x33: {  	p0 =	seq.s32 s10, $0x1;
	s10 =	sld [smem:$0x3FB3];
	_ =	sdelay $0x3  }
0x34: {  	[smem:$0x3FB3] =	sst s10  }
0x35: {  	s10 =	sld [smem:$0x3FB2];
	_ =	sdelay $0x3  }
0x36: {  	p1 =	seq.s32 s10, $0x1;
	s10 =	sld [smem:$0x3FB3];
	_ =	sdelay $0x3  }
0x37: {  	[smem:$0x3FB3] =	sst s10  }
0x38: {  	s10 =	sld [smem:$0x3FB4]  }
0x39: {  	_ = 	snop;
	(pc) =	sbr.ind lr, $3  }
0x3a: {  	_ = 	snop  }
0x3b: {  	_ = 	snop  }
0x3c: {  	p2 =	seq.s32 s10, $0x1;
	s10 =	sld [smem:$0x3FB3]  }
0x3d: {  	_ =	shalt  }
0x3e: {  	_ =	shalt  }
0x3f: {  	_ =	shalt  }
0x40: {  	_ =	shalt  }
0x41: {  	_ =	shalt  }
0x42: {  	_ =	shalt  }
0x43: {  	_ =	shalt  }
0x44: {  	_ =	shalt  }
0x45: {  	_ =	shalt  }
0x46: {  	_ =	shalt  }
0x47: {  	_ =	shalt  }
0x48: {  	_ =	shalt  }
0x49: {  	_ =	shalt  }
0x4a: {  	_ =	shalt  }
0x4b: {  	_ =	shalt  }
0x4c: {  	_ =	shalt  }
0x4d: {  	_ =	shalt  }
0x4e: {  	_ =	shalt  }
0x4f: {  	_ =	shalt  }
0x50: {  	_ =	shalt  }
0x51: {  	_ =	shalt  }
0x52: {  	_ =	shalt  }
0x53: {  	_ =	shalt  }
0x54: {  	_ =	shalt  }
0x55: {  	_ =	shalt  }
0x56: {  	_ =	shalt  }
0x57: {  	_ =	shalt  }
0x58: {  	_ =	shalt  }
0x59: {  	_ =	shalt  }
0x5a: {  	_ =	shalt  }
0x5b: {  	_ =	shalt  }
0x5c: {  	_ =	shalt  }
0x5d: {  	_ =	shalt  }
0x5e: {  	_ =	shalt  }
0x5f: {  	_ =	shalt  }
0x60: {  	_ =	shalt  }
0x61: {  	_ =	shalt  }
0x62: {  	_ =	shalt  }
0x63: {  	_ =	shalt  }
0x64: {  	_ =	shalt  }
0x65: {  	_ =	shalt  }
0x66: {  	_ =	shalt  }
0x67: {  	_ =	shalt  }
0x68: {  	_ =	shalt  }
0x69: {  	_ =	shalt  }
0x6a: {  	_ =	shalt  }
0x6b: {  	_ =	shalt  }
0x6c: {  	_ =	shalt  }
0x6d: {  	_ =	shalt  }
0x6e: {  	_ =	shalt  }
0x6f: {  	_ =	shalt  }
0x70: {  	_ =	shalt  }
0x71: {  	_ =	shalt  }
0x72: {  	_ =	shalt  }
0x73: {  	_ =	shalt  }
0x74: {  	_ =	shalt  }
0x75: {  	_ =	shalt  }
0x76: {  	_ =	shalt  }
0x77: {  	_ =	shalt  }
0x78: {  	_ =	shalt  }
0x79: {  	_ =	shalt  }
0x7a: {  	_ =	shalt  }
0x7b: {  	_ =	shalt  }
0x7c: {  	_ =	shalt  }
0x7d: {  	_ =	shalt  }
0x7e: {  	_ =	shalt  }
0x7f: {  	_ =	shalt  }
0x80: {  	_ =	shalt  }
0x81: {  	_ =	shalt  }
0x82: {  	_ =	shalt  }
0x83: {  	_ =	shalt  }
0x84: {  	_ =	shalt  }
0x85: {  	_ =	shalt  }
0x86: {  	_ =	shalt  }
0x87: {  	_ =	shalt  }
.Lfunc_end0:
.L_simem_size_0:
called_computation_lowered:
.L_overlay_start_0:
0x88: {  	s2 =	sld [smem:$0x3FD9]  }
0x89: {  	s3 =	sld [smem:$0x3FFE];
	_ =	sdelay $0x1  }
0x8a: {  	s1 =	srdreg.scid  }
0x8b: {  	s0 =	sand.u32 $0x1, s1  }
0x8c: {  	s14 =	sshll.u32 s0, $0xA;
	s2 =	sadd.s32 s3, s2  }
0x8d: {  	s2 =	sadd.s32 s2, s14  }
0x8e: {  	[smem:$0x3FBF] =	sst s2  }
0x8f: {  	_ = 	snop  }
0x90: {  	s2 =	sld [smem:$0x3FD0];
	_ =	sdelay $0x2  }
0x91: {  	s15 =	simm.s32 $0xA;
	s4 =	simm.s32 $0x10  }
0x92: {  	[smem:s4], [sflag:s15] =	dma.local [hbm:s2], $0x1  }
0x93: {  	_ =	swait.eq [sflag:s15], $0x1  }
0x94: {  	[sflag:s15] =	ssyncset.done $0x0  }
0x95: {  	[sflag:s15] =	ssyncadd.s32 $0xFFFFFFFF  }
0x96: {  	s16 =	sld [smem:$0x10];
	(tm) =	ssettm $0x1  }
0x97: {  	s17 =	sld [smem:$0x3FFB];
	_ =	sdelay $0x3  }
0x98: {  	_ =	strace s17  }
0x99: {  	s3 =	sld [smem:$0x3FFC];
	_ =	sdelay $0x3  }
0x9a: {  	_ =	strace s3  }
0x9b: {  	s3 =	sld [smem:$0x3FFD];
	_ =	sdelay $0x3  }
0x9c: {  	_ =	strace s3  }
0x9d: {  	_ =	strace $0x8FFFFFFF  }
0x9e: {  	s18 =	sld [smem:$0x3FDB];
	_ =	sdelay $0x1  }
0x9f: {  	s19 =	simm.s32 $_scs_section_size  }
0xa0: {  	s5 =	simm.s32 $_size__tile_overlayer_lowered;
	s6 =	simm.s32 $_tile_overlayer_lowered  }
0xa1: {  	s22 =	simm.s32 $0x1BFF;
	s21 =	sshll.u32 s6, $0x1;
	s3 =	sadd.s32 s19, s18  }
0xa2: {  	s7 =	simm.s32 $0x0;
	s20 =	sshll.u32 s5, $0x1;
	s5 =	sadd.s32 s21, s3  }
0xa3: {  	[timem:s7], [sflag:s22] =	dma.local [hbm:s5], s20  }
0xa4: {  	_ =	swait.ge [sflag:s22], s20  }
0xa5: {  	s4 =	ssub.s32 $0x0, s20;
	[sflag:s22] =	ssyncset.done $0x0  }
0xa6: {  	[sflag:s22] =	ssyncadd.s32 s4;
	_ =	sdelay $0x1  }
0xa7: {  	s23 =	simm.s32 $0x1B8B  }
0xa8: {  	_ =	swait.ge [sflag:s23], $0x1  }
0xa9: {  	[sflag:s23] =	ssyncset.done $0x0  }
0xaa: {  	s25 =	simm.s32 $0x1B8E;
	s24 =	sld [smem:$0x3FFE];
	[sflag:s23] =	ssyncadd.s32 $0xFFFFFFFF  }
0xab: {  	s26 =	simm.s32 $execute0_lowered;
	[smem:$0x3FD2] =	sst s25  }
0xac: {  	s5 =	sshll.u32 s26, $0x1;
	_ =	strace $0x80000046;
	[dreg:$0x1] =	wrdreg $0xFFFFFFFF  }
0xad: {  	s28 =	simm.s32 $_size_execute0_lowered;
	s3 =	sadd.s32 s3, s5;
	[dreg:$0x0] =	wrdreg $0x0  }
0xae: {  	s5 =	sshll.u32 s28, $0x1;
	[dreg:$0x2] =	wrdreg s3  }
0xaf: {  	[dreg:$0x3] =	wrdreg s5  }
0xb0: {  	[dreg:$0x4] =	wrdreg $0xC0  }
0xb1: {  	_ =	task [dreg:s7], $0x5FFFF  }
0xb2: {  	[dreg:$0x1] =	wrdreg $0xFFFFFFFF  }
0xb3: {  	[dreg:$0x0] =	wrdreg $0x60  }
0xb4: {  	[dreg:$0x2] =	wrdreg s16  }
0xb5: {  	[dreg:$0x3] =	wrdreg s24  }
0xb6: {  	[dreg:$0x4] =	wrdreg $0x9  }
0xb7: {  	_ =	task.clear_ibuf [dreg:s7], $0x5FFFF;
	_ =	strace $0x90000046  }
0xb8: {  	s29 =	simm.s32 $0x9;
	_ =	strace $0x80000048  }
0xb9: {  	_ =	swait.ge [sflag:s29], $0x1  }
0xba: {  	[sflag:s29] =	ssyncadd.s32 $0xFFFFFFFF  }
0xbb: {  	_ =	strace $0x90000048  }
0xbc: {  	_ =	sfence  }
0xbd: {  	s30 =	sld [smem:$0x0];
	_ =	sdelay $0x2  }
0xbe: {  	s31 =	sshll.u32 s1, $0xD;
	s1 =	sshrl.u32 s1, $0x2  }
0xbf: {  	s3 =	sand.u32 $0x4000, s31;
	s1 =	sadd.s32 s1, s30  }
0xc0: {  	s0 =	sor.u32 s3, s0;
	s1 =	sshll.u32 s1, $0x11  }
0xc1: {  	s0 =	sor.u32 s1, s0  }
0xc2: {  	s0 =	sadd.s32 $0x8F2B, s0  }
0xc3: {  	[sflag:s0] =	ssyncadd.remote.s32 $0x1  }
0xc4: {  	_ =	sfence.sel $0xFFFF  }
0xc5: {  	[dreg:$0x0] =	wrdreg $0xFFFFFFFF;
	(pc) =	sbr.abs _section_cstart, $3  }
0xc6: {  	[dreg:$0x1] =	wrdreg $0xFFFFFFFF  }
0xc7: {  	_ =	task.clear_ibuf [dreg:s7], $0x2FFFF;
	_ =	strace $0x9FFFFFFF  }
0xc8: {  	(tm) =	ssettm $0x7FFFFFFF  }
0xc9: {  	_ =	shalt  }
tec
execute0_lowered:
.L_overlay_start_1:
0x0: {  	(tag) =	ssettag $0x1  }
0x1: {  	v0 =	vimm.s32 $0xB80;
	vm0 =	vcmask $0x300;
	v1 =	vimm.s32 $0x2380  }
0x2: {  	s5 =	rddreg [dreg:$0x0];
	vm1 =	vcmask $0x704;
	v0 =	vsel vm0, $0x0, v0;
	v1 =	vsel vm0, $0x0, v1  }
0x3: {  	s3 =	rddreg [dreg:$0x1];
	vm15 =	vcmask $0xB08;
	v0 =	vsel vm1, $0x80, v0;
	v1 =	vsel vm1, $0x80, v1  }
0x4: {  	s0 =	rddreg [dreg:$0x2];
	vm4 =	vcmask $0xF0C;
	v0 =	vsel vm15, $0x100, v0;
	v1 =	vsel vm15, $0x100, v1  }
0x5: {  	s2 =	simm.s32 $0x0;
	s4 =	srdreg.scid;
	s1 =	stileid.u32;
	vm5 =	vcmask $0x1310;
	v0 =	vsel vm4, $0x180, v0;
	v1 =	vsel vm4, $0x180, v1  }
0x6: {  	vm6 =	vcmask $0x1714;
	s13 =	simm.s32 $0xB000;
	s14 =	simm.s32 $0x1;
	s15 =	simm.s32 $0x2;
	v0 =	vsel vm5, $0x200, v0;
	v1 =	vsel vm5, $0x200, v1  }
0x7: {  	vm7 =	vcmask $0x1B18;
	s16 =	simm.s32 $0x4000;
	s17 =	simm.s32 $0x3;
	s18 =	simm.s32 $0x4;
	v0 =	vsel vm6, $0x280, v0;
	v1 =	vsel vm6, $0x280, v1  }
0x8: {  	vm8 =	vcmask $0x1F1C;
	s19 =	simm.s32 $0x0;
	[smem:$0x7FF] =	sst s2;
	s4 =	sand.u32 $0x1, s4;
	v0 =	vsel vm7, $0x300, v0;
	v1 =	vsel vm7, $0x300, v1  }
0x9: {  	vm9 =	vcmask $0x2320;
	s6 =	sshll.u32 s1, $0x1;
	s7 =	sadd.s32 $0x1200, s3;
	s8 =	sadd.s32 $0x9200, s3;
	v0 =	vsel vm8, $0x380, v0;
	v1 =	vsel vm8, $0x380, v1  }
0xa: {  	vm10 =	vcmask $0x2724;
	_ =	strace $0x80000047;
	s6 =	sor.u32 s4, s6;
	s28 =	ssub.s32 $0x2, s4;
	v0 =	vsel vm9, $0x800, v0;
	v1 =	vsel vm9, $0x2000, v1  }
0xb: {  	vm11 =	vcmask $0x2B28;
	s29 =	sshll.u32 s6, $0x2;
	s9 =	sshrl.u32 s28, $0x1;
	s10 =	sshll.u32 s6, $0xA;
	v0 =	vsel vm10, $0x880, v0;
	v1 =	vsel vm10, $0x2080, v1  }
0xc: {  	vm12 =	vcmask $0x2F2C;
	s30 =	sshll.u32 s6, $0xC;
	s11 =	sor.u32 $0x2, s29;
	s9 =	ssub.s32 s28, s9;
	v0 =	vsel vm11, $0x900, v0;
	v1 =	vsel vm11, $0x2100, v1  }
0xd: {  	vm13 =	vcmask $0x3330;
	s3 =	sadd.s32 s5, s10;
	s4 =	sadd.s32 s7, s10;
	s10 =	simm.s32 $0x8000;
	v0 =	vsel vm12, $0x980, v0;
	v1 =	vsel vm12, $0x2180, v1  }
0xe: {  	vm14 =	vcmask $0x3734;
	s12 =	sshll.u32 s11, $0x8;
	s31 =	sshll.u32 s11, $0xA;
	s9 =	smax.u32 s9, $0x1;
	v0 =	vsel vm13, $0xA00, v0;
	v1 =	vsel vm13, $0x2200, v1  }
0xf: {  	vm15 =	vcmask $0x3B38;
	s11 =	simm.s32 $0xA000;
	s5 =	sadd.s32 s5, s12;
	s6 =	sadd.s32 s7, s12;
	v2 =	vsel vm14, $0xA80, v0;
	v3 =	vsel vm14, $0x2280, v1  }
0x10: {  	s7 =	sadd.s32 s8, s30;
	s8 =	sadd.s32 s8, s31;
	s12 =	simm.s32 $0x9000;
	v0 =	vimm.f32 $0.0e+00;
	v1 =	vsel vm15, $0xB00, v2;
	v2 =	vsel vm15, $0x2300, v3  }
.LBB2_1:
0x11: {  	[tilespmem:s10], [sflag:$0x1] =	stream.linear.gather [hbm4b:s3+s2], $0x1000, $0x38;
	[tilespmem:$0xC000] =	vst v63  }
0x12: {  	_ = 	snop  }
0x13: {  	[tilespmem:s11], [sflag:$0x1] =	stream.linear.gather [hbm4b:s4+s2], $0x1000, $0x38;
	[tilespmem:$0xC000] =	vst v63  }
0x14: {  	s20 =	simm.s32 $0xFFFFC000  }
0x15: {  	[tilespmem:s12], [sflag:$0x2] =	stream.linear.gather [hbm4b:s5+s2], $0x1000, $0x38;
	[tilespmem:$0xC000] =	vst v63  }
0x16: {  	s21 =	simm.s32 $0x0;
	s22 =	simm.s32 $0x0;
	s23 =	simm.s32 $0x0  }
0x17: {  	[tilespmem:s13], [sflag:$0x2] =	stream.linear.gather [hbm4b:s6+s2], $0x1000, $0x38;
	[tilespmem:$0xC000] =	vst v63  }
.LBB2_2:
0x18: {  	s24 =	sadd.s32 $0x4000, s20  }
0x19: {  	s25 =	sand.u32 $0x380, s23;
	s24 =	sand.u32 $0x2000, s24  }
0x1a: {  	s24 =	sor.u32 s25, s24  }
0x1b: {  	[tilespmem:s24+$0x0] =	vst v0  }
0x1c: {  	[tilespmem:s24+$0x10] =	vst v0  }
0x1d: {  	[tilespmem:s24+$0x20] =	vst v0  }
0x1e: {  	[tilespmem:s24+$0x30] =	vst v0  }
0x1f: {  	[tilespmem:s24+$0x40] =	vst v0  }
0x20: {  	[tilespmem:s24+$0x50] =	vst v0  }
0x21: {  	[tilespmem:s24+$0x60] =	vst v0  }
0x22: {  	[tilespmem:s24+$0x70] =	vst v0  }
0x23: {  	[tilespmem:s24+$0x400] =	vst v0  }
0x24: {  	[tilespmem:s24+$0x410] =	vst v0  }
0x25: {  	[tilespmem:s24+$0x420] =	vst v0  }
0x26: {  	[tilespmem:s24+$0x430] =	vst v0  }
0x27: {  	[tilespmem:s24+$0x440] =	vst v0  }
0x28: {  	[tilespmem:s24+$0x450] =	vst v0  }
0x29: {  	[tilespmem:s24+$0x460] =	vst v0  }
0x2a: {  	[tilespmem:s24+$0x470] =	vst v0  }
0x2b: {  	[tilespmem:s24+$0x800] =	vst v0  }
0x2c: {  	[tilespmem:s24+$0x810] =	vst v0  }
0x2d: {  	[tilespmem:s24+$0x820] =	vst v0  }
0x2e: {  	[tilespmem:s24+$0x830] =	vst v0  }
0x2f: {  	[tilespmem:s24+$0x840] =	vst v0  }
0x30: {  	[tilespmem:s24+$0x850] =	vst v0  }
0x31: {  	[tilespmem:s24+$0x860] =	vst v0  }
0x32: {  	[tilespmem:s24+$0x870] =	vst v0  }
0x33: {  	[tilespmem:s24+$0xC00] =	vst v0  }
0x34: {  	[tilespmem:s24+$0xC10] =	vst v0  }
0x35: {  	[tilespmem:s24+$0xC20] =	vst v0  }
0x36: {  	[tilespmem:s24+$0xC30] =	vst v0  }
0x37: {  	[tilespmem:s24+$0xC40] =	vst v0  }
0x38: {  	[tilespmem:s24+$0xC50] =	vst v0  }
0x39: {  	[tilespmem:s24+$0xC60] =	vst v0  }
0x3a: {  	[tilespmem:s24+$0xC70] =	vst v0  }
0x3b: {  	[tilespmem:s24+$0x1000] =	vst v0  }
0x3c: {  	[tilespmem:s24+$0x1010] =	vst v0  }
0x3d: {  	[tilespmem:s24+$0x1020] =	vst v0  }
0x3e: {  	[tilespmem:s24+$0x1030] =	vst v0  }
0x3f: {  	[tilespmem:s24+$0x1040] =	vst v0  }
0x40: {  	[tilespmem:s24+$0x1050] =	vst v0  }
0x41: {  	[tilespmem:s24+$0x1060] =	vst v0  }
0x42: {  	[tilespmem:s24+$0x1070] =	vst v0  }
0x43: {  	[tilespmem:s24+$0x1400] =	vst v0  }
0x44: {  	[tilespmem:s24+$0x1410] =	vst v0  }
0x45: {  	[tilespmem:s24+$0x1420] =	vst v0  }
0x46: {  	[tilespmem:s24+$0x1430] =	vst v0  }
0x47: {  	[tilespmem:s24+$0x1440] =	vst v0  }
0x48: {  	[tilespmem:s24+$0x1450] =	vst v0  }
0x49: {  	[tilespmem:s24+$0x1460] =	vst v0  }
0x4a: {  	[tilespmem:s24+$0x1470] =	vst v0  }
0x4b: {  	[tilespmem:s24+$0x1800] =	vst v0  }
0x4c: {  	[tilespmem:s24+$0x1810] =	vst v0  }
0x4d: {  	[tilespmem:s24+$0x1820] =	vst v0  }
0x4e: {  	[tilespmem:s24+$0x1830] =	vst v0  }
0x4f: {  	s29 =	sand.u32 $0x7, s21;
	[tilespmem:s24+$0x1840] =	vst v0  }
0x50: {  	s25 =	sshll.u32 s29, $0x7;
	[tilespmem:s24+$0x1850] =	vst v0  }
0x51: {  	s25 =	sadd.s32 s25, s22;
	[tilespmem:s24+$0x1860] =	vst v0  }
0x52: {  	[tilespmem:s24+$0x1870] =	vst v0;
	s30 =	sor.u32 $0x1C00, s25  }
0x53: {  	s31 =	sor.u32 $0x1C10, s25;
	[tilespmem:s30+$0x0] =	vst v0  }
0x54: {  	p0 =	sne.s32 s23, $0x780;
	s26 =	sor.u32 $0x1C20, s25;
	[tilespmem:s31+$0x0] =	vst v0  }
.Ltmp0:
0x55: {  	s28 =	sor.u32 $0x1C30, s25;
	[tilespmem:s26+$0x0] =	vst v0;
	(pc) =	sbr.rel @p0 .LBB2_2-.Ltmp0, $4  }
0x56: {  	s29 =	sor.u32 $0x1C40, s25;
	[tilespmem:s28+$0x0] =	vst v0  }
0x57: {  	s30 =	sor.u32 $0x1C50, s25;
	[tilespmem:s29+$0x0] =	vst v0  }
0x58: {  	s21 =	sadd.s32 $0x1, s21;
	s31 =	sor.u32 $0x1C58, s25;
	[tilespmem:s30+$0x0] =	vst v0  }
0x59: {  	s20 =	sadd.s32 $0x400, s20;
	s23 =	sadd.s32 $0x80, s23;
	s22 =	sadd.s32 $0x400, s22;
	[tilespmem:s31+$0x0] =	vst v0  }
0x5a: {  	_ =	swait.ge [sflag:s14], $0x1000  }
0x5b: {  	[sflag:s14] =	ssyncset.done $0x0  }
0x5c: {  	[sflag:s14] =	ssyncadd.s32 $0xFFFFF000  }
0x5d: {  	_ =	swait.ge [sflag:s14], $0x1000  }
0x5e: {  	[sflag:s14] =	ssyncset.done $0x0  }
0x5f: {  	s20 =	simm.s32 $0x0;
	[sflag:s14] =	ssyncadd.s32 $0xFFFFF000  }
.LBB2_4:
0x60: {  	v3 =	vmov s20  }
0x61: {  	v4 =	vshll.u32 v3, $0x3  }
0x62: {  	v3 =	vand.u32 $0x78, v3;
	v4 =	vand.u32 $0x400, v4  }
0x63: {  	v3 =	vor.u32 v4, v3  }
0x64: {  	v3 =	vor.u32 v1, v3;
	_ =	sdelay $0x4  }
0x65: {  	v29 =	vld.idx.msk [tilespmem:v3+s11+$0x0], $0xffff;
	_ =	sdelay $0x3  }
0x66: {  	s21 =	sadd.s32 $0x1, s20  }
0x67: {  	v6 =	vmov s21;
	v5 =	vshll.u32 v29, $0x3  }
0x68: {  	v7 =	vshll.u32 v6, $0x3;
	v4 =	vand.u32 $0x7F, v29;
	v5 =	vand.u32 $0xFFFFFC00, v5  }
0x69: {  	v30 =	vand.u32 $0x79, v6;
	v31 =	vand.u32 $0x400, v7;
	v4 =	vor.u32 v4, v5  }
0x6a: {  	v3 =	vld.idx.msk [tilespmem:v3+s10+$0x0], $0xffff;
	v5 =	vor.u32 v31, v30;
	v4 =	vadd.s32 v2, v4  }
0x6b: {  	v5 =	vor.u32 v1, v5;
	_ =	sdelay $0x3  }
0x6c: {  	[tilespmem:v4+s2+$0x0] =	vst.idx.add.f32.msk $0xffff, v3  }
0x6d: {  	v3 =	vld.idx.msk [tilespmem:v5+s11+$0x0], $0xffff;
	_ =	sdelay $0x3  }
0x6e: {  	s25 =	sadd.s32 $0x2, s20  }
0x6f: {  	v33 =	vmov s25;
	v32 =	vshll.u32 v3, $0x3  }
0x70: {  	v34 =	vshll.u32 v33, $0x3;
	v3 =	vand.u32 $0x7F, v3;
	v4 =	vand.u32 $0xFFFFFC00, v32  }
0x71: {  	v35 =	vand.u32 $0x7A, v33;
	v36 =	vand.u32 $0x400, v34;
	v3 =	vor.u32 v3, v4  }
0x72: {  	v5 =	vld.idx.msk [tilespmem:v5+s10+$0x0], $0xffff;
	v4 =	vor.u32 v36, v35;
	v3 =	vadd.s32 v2, v3  }
0x73: {  	v4 =	vor.u32 v1, v4;
	_ =	sdelay $0x3  }
0x74: {  	[tilespmem:v3+s2+$0x0] =	vst.idx.add.f32.msk $0xffff, v5  }
0x75: {  	v3 =	vld.idx.msk [tilespmem:v4+s11+$0x0], $0xffff;
	_ =	sdelay $0x3  }
0x76: {  	s26 =	sadd.s32 $0x3, s20  }
0x77: {  	v38 =	vmov s26;
	v37 =	vshll.u32 v3, $0x3  }
0x78: {  	v39 =	vshll.u32 v38, $0x3;
	v3 =	vand.u32 $0x7F, v3;
	v5 =	vand.u32 $0xFFFFFC00, v37  }
0x79: {  	v40 =	vand.u32 $0x7B, v38;
	v41 =	vand.u32 $0x400, v39;
	v3 =	vor.u32 v3, v5  }
0x7a: {  	v4 =	vld.idx.msk [tilespmem:v4+s10+$0x0], $0xffff;
	v5 =	vor.u32 v41, v40;
	v3 =	vadd.s32 v2, v3  }
0x7b: {  	v5 =	vor.u32 v1, v5;
	_ =	sdelay $0x3  }
0x7c: {  	[tilespmem:v3+s2+$0x0] =	vst.idx.add.f32.msk $0xffff, v4  }
0x7d: {  	v3 =	vld.idx.msk [tilespmem:v5+s11+$0x0], $0xffff;
	_ =	sdelay $0x3  }
0x7e: {  	s28 =	sadd.s32 $0x4, s20  }
0x7f: {  	v43 =	vmov s28;
	v42 =	vshll.u32 v3, $0x3  }
0x80: {  	v44 =	vshll.u32 v43, $0x3;
	v3 =	vand.u32 $0x7F, v3;
	v4 =	vand.u32 $0xFFFFFC00, v42  }
0x81: {  	v45 =	vand.u32 $0x7C, v43;
	v46 =	vand.u32 $0x400, v44;
	v3 =	vor.u32 v3, v4  }
0x82: {  	v5 =	vld.idx.msk [tilespmem:v5+s10+$0x0], $0xffff;
	v4 =	vor.u32 v46, v45;
	v3 =	vadd.s32 v2, v3  }
0x83: {  	v4 =	vor.u32 v1, v4;
	_ =	sdelay $0x3  }
0x84: {  	[tilespmem:v3+s2+$0x0] =	vst.idx.add.f32.msk $0xffff, v5  }
0x85: {  	v3 =	vld.idx.msk [tilespmem:v4+s11+$0x0], $0xffff;
	_ =	sdelay $0x3  }
0x86: {  	s29 =	sadd.s32 $0x5, s20  }
0x87: {  	v48 =	vmov s29;
	v47 =	vshll.u32 v3, $0x3  }
0x88: {  	v49 =	vshll.u32 v48, $0x3;
	v3 =	vand.u32 $0x7F, v3;
	v5 =	vand.u32 $0xFFFFFC00, v47  }
0x89: {  	v50 =	vand.u32 $0x7D, v48;
	v51 =	vand.u32 $0x400, v49;
	v3 =	vor.u32 v3, v5  }
0x8a: {  	v4 =	vld.idx.msk [tilespmem:v4+s10+$0x0], $0xffff;
	v5 =	vor.u32 v51, v50;
	v3 =	vadd.s32 v2, v3  }
0x8b: {  	v5 =	vor.u32 v1, v5;
	_ =	sdelay $0x3  }
0x8c: {  	[tilespmem:v3+s2+$0x0] =	vst.idx.add.f32.msk $0xffff, v4  }
0x8d: {  	v3 =	vld.idx.msk [tilespmem:v5+s11+$0x0], $0xffff;
	_ =	sdelay $0x3  }
0x8e: {  	s30 =	sadd.s32 $0x6, s20  }
0x8f: {  	v53 =	vmov s30;
	v52 =	vshll.u32 v3, $0x3  }
0x90: {  	v54 =	vshll.u32 v53, $0x3;
	v3 =	vand.u32 $0x7F, v3;
	v4 =	vand.u32 $0xFFFFFC00, v52  }
0x91: {  	v55 =	vand.u32 $0x7E, v53;
	v56 =	vand.u32 $0x400, v54;
	v3 =	vor.u32 v3, v4  }
0x92: {  	v5 =	vld.idx.msk [tilespmem:v5+s10+$0x0], $0xffff;
	v4 =	vor.u32 v56, v55;
	v3 =	vadd.s32 v2, v3  }
0x93: {  	v4 =	vor.u32 v1, v4;
	_ =	sdelay $0x3  }
0x94: {  	[tilespmem:v3+s2+$0x0] =	vst.idx.add.f32.msk $0xffff, v5  }
0x95: {  	v3 =	vld.idx.msk [tilespmem:v4+s11+$0x0], $0xffff;
	_ =	sdelay $0x3  }
0x96: {  	s31 =	sadd.s32 $0x7, s20  }
0x97: {  	v58 =	vmov s31;
	v57 =	vshll.u32 v3, $0x3  }
0x98: {  	v59 =	vshll.u32 v58, $0x3;
	v3 =	vand.u32 $0x7F, v3;
	v5 =	vand.u32 $0xFFFFFC00, v57  }
0x99: {  	v60 =	vand.u32 $0x7F, v58;
	v61 =	vand.u32 $0x400, v59;
	v3 =	vor.u32 v3, v5  }
0x9a: {  	v4 =	vld.idx.msk [tilespmem:v4+s10+$0x0], $0xffff;
	v5 =	vor.u32 v61, v60;
	v3 =	vadd.s32 v2, v3  }
0x9b: {  	v5 =	vor.u32 v1, v5;
	_ =	sdelay $0x3  }
0x9c: {  	[tilespmem:v3+s2+$0x0] =	vst.idx.add.f32.msk $0xffff, v4  }
0x9d: {  	v3 =	vld.idx.msk [tilespmem:v5+s11+$0x0], $0xffff;
	_ =	sdelay $0x4  }
0x9e: {  	v62 =	vshll.u32 v3, $0x3  }
0x9f: {  	v3 =	vand.u32 $0x7F, v3;
	v4 =	vand.u32 $0xFFFFFC00, v62  }
0xa0: {  	v3 =	vor.u32 v3, v4  }
0xa1: {  	p0 =	slt.u32 s20, $0xC0;
	v63 =	vld.idx.msk [tilespmem:v5+s10+$0x0], $0xffff;
	v3 =	vadd.s32 v2, v3  }
.Ltmp1:
0xa2: {  	_ = 	snop;
	(pc) =	sbr.rel @p0 .LBB2_4-.Ltmp1, $2  }
0xa3: {  	_ =	sdelay $0x2  }
0xa4: {  	s20 =	sadd.s32 $0x8, s20;
	[tilespmem:v3+s2+$0x0] =	vst.idx.add.f32.msk $0xffff, v63  }
0xa5: {  	s20 =	simm.s32 $0x0  }
0xa6: {  	s21 =	simm.s32 $0xFFFFC000;
	s22 =	simm.s32 $0x0;
	s23 =	simm.s32 $0x0  }
0xa7: {  	[hbm4b:s7+s20] =	stream.linear.scatter [tilespmem:s20], [sflag:$0x3], $0x4000, $0x38;
	[tilespmem:$0xC000] =	vst v63  }
.LBB2_6:
0xa8: {  	s24 =	sadd.s32 $0x4000, s21  }
0xa9: {  	s25 =	sand.u32 $0x380, s23;
	s24 =	sand.u32 $0x2000, s24  }
0xaa: {  	s24 =	sor.u32 s25, s24  }
0xab: {  	[tilespmem:s24+$0x4000] =	vst v0  }
0xac: {  	[tilespmem:s24+$0x4010] =	vst v0  }
0xad: {  	[tilespmem:s24+$0x4020] =	vst v0  }
0xae: {  	[tilespmem:s24+$0x4030] =	vst v0  }
0xaf: {  	[tilespmem:s24+$0x4040] =	vst v0  }
0xb0: {  	[tilespmem:s24+$0x4050] =	vst v0  }
0xb1: {  	[tilespmem:s24+$0x4060] =	vst v0  }
0xb2: {  	[tilespmem:s24+$0x4070] =	vst v0  }
0xb3: {  	[tilespmem:s24+$0x4400] =	vst v0  }
0xb4: {  	[tilespmem:s24+$0x4410] =	vst v0  }
0xb5: {  	[tilespmem:s24+$0x4420] =	vst v0  }
0xb6: {  	[tilespmem:s24+$0x4430] =	vst v0  }
0xb7: {  	[tilespmem:s24+$0x4440] =	vst v0  }
0xb8: {  	[tilespmem:s24+$0x4450] =	vst v0  }
0xb9: {  	[tilespmem:s24+$0x4460] =	vst v0  }
0xba: {  	[tilespmem:s24+$0x4470] =	vst v0  }
0xbb: {  	[tilespmem:s24+$0x4800] =	vst v0  }
0xbc: {  	[tilespmem:s24+$0x4810] =	vst v0  }
0xbd: {  	[tilespmem:s24+$0x4820] =	vst v0  }
0xbe: {  	[tilespmem:s24+$0x4830] =	vst v0  }
0xbf: {  	[tilespmem:s24+$0x4840] =	vst v0  }
0xc0: {  	[tilespmem:s24+$0x4850] =	vst v0  }
0xc1: {  	[tilespmem:s24+$0x4860] =	vst v0  }
0xc2: {  	[tilespmem:s24+$0x4870] =	vst v0  }
0xc3: {  	[tilespmem:s24+$0x4C00] =	vst v0  }
0xc4: {  	[tilespmem:s24+$0x4C10] =	vst v0  }
0xc5: {  	[tilespmem:s24+$0x4C20] =	vst v0  }
0xc6: {  	[tilespmem:s24+$0x4C30] =	vst v0  }
0xc7: {  	[tilespmem:s24+$0x4C40] =	vst v0  }
0xc8: {  	[tilespmem:s24+$0x4C50] =	vst v0  }
0xc9: {  	[tilespmem:s24+$0x4C60] =	vst v0  }
0xca: {  	[tilespmem:s24+$0x4C70] =	vst v0  }
0xcb: {  	[tilespmem:s24+$0x5000] =	vst v0  }
0xcc: {  	[tilespmem:s24+$0x5010] =	vst v0  }
0xcd: {  	[tilespmem:s24+$0x5020] =	vst v0  }
0xce: {  	[tilespmem:s24+$0x5030] =	vst v0  }
0xcf: {  	[tilespmem:s24+$0x5040] =	vst v0  }
0xd0: {  	[tilespmem:s24+$0x5050] =	vst v0  }
0xd1: {  	[tilespmem:s24+$0x5060] =	vst v0  }
0xd2: {  	[tilespmem:s24+$0x5070] =	vst v0  }
0xd3: {  	[tilespmem:s24+$0x5400] =	vst v0  }
0xd4: {  	[tilespmem:s24+$0x5410] =	vst v0  }
0xd5: {  	[tilespmem:s24+$0x5420] =	vst v0  }
0xd6: {  	[tilespmem:s24+$0x5430] =	vst v0  }
0xd7: {  	[tilespmem:s24+$0x5440] =	vst v0  }
0xd8: {  	[tilespmem:s24+$0x5450] =	vst v0  }
0xd9: {  	[tilespmem:s24+$0x5460] =	vst v0  }
0xda: {  	[tilespmem:s24+$0x5470] =	vst v0  }
0xdb: {  	[tilespmem:s24+$0x5800] =	vst v0  }
0xdc: {  	[tilespmem:s24+$0x5810] =	vst v0  }
0xdd: {  	[tilespmem:s24+$0x5820] =	vst v0  }
0xde: {  	[tilespmem:s24+$0x5830] =	vst v0  }
0xdf: {  	s29 =	sand.u32 $0x7, s20;
	[tilespmem:s24+$0x5840] =	vst v0  }
0xe0: {  	s25 =	sshll.u32 s29, $0x7;
	[tilespmem:s24+$0x5850] =	vst v0  }
0xe1: {  	s25 =	sadd.s32 s25, s22;
	[tilespmem:s24+$0x5860] =	vst v0  }
0xe2: {  	[tilespmem:s24+$0x5870] =	vst v0;
	s30 =	sor.u32 $0x1C00, s25  }
0xe3: {  	s31 =	sor.u32 $0x1C10, s25;
	[tilespmem:s30+$0x4000] =	vst v0  }
0xe4: {  	p0 =	sne.s32 s23, $0x780;
	s26 =	sor.u32 $0x1C20, s25;
	[tilespmem:s31+$0x4000] =	vst v0  }
.Ltmp2:
0xe5: {  	s28 =	sor.u32 $0x1C30, s25;
	[tilespmem:s26+$0x4000] =	vst v0;
	(pc) =	sbr.rel @p0 .LBB2_6-.Ltmp2, $4  }
0xe6: {  	s29 =	sor.u32 $0x1C40, s25;
	[tilespmem:s28+$0x4000] =	vst v0  }
0xe7: {  	s30 =	sor.u32 $0x1C50, s25;
	[tilespmem:s29+$0x4000] =	vst v0  }
0xe8: {  	s20 =	sadd.s32 $0x1, s20;
	s31 =	sor.u32 $0x1C58, s25;
	[tilespmem:s30+$0x4000] =	vst v0  }
0xe9: {  	s21 =	sadd.s32 $0x400, s21;
	s23 =	sadd.s32 $0x80, s23;
	s22 =	sadd.s32 $0x400, s22;
	[tilespmem:s31+$0x4000] =	vst v0  }
0xea: {  	_ =	swait.ge [sflag:s15], $0x1000  }
0xeb: {  	[sflag:s15] =	ssyncset.done $0x0  }
0xec: {  	[sflag:s15] =	ssyncadd.s32 $0xFFFFF000  }
0xed: {  	_ =	swait.ge [sflag:s15], $0x1000  }
0xee: {  	[sflag:s15] =	ssyncset.done $0x0  }
0xef: {  	s20 =	simm.s32 $0x0;
	[sflag:s15] =	ssyncadd.s32 $0xFFFFF000  }
.LBB2_8:
0xf0: {  	v3 =	vmov s20  }
0xf1: {  	v4 =	vshll.u32 v3, $0x3  }
0xf2: {  	v3 =	vand.u32 $0x78, v3;
	v4 =	vand.u32 $0x400, v4  }
0xf3: {  	v3 =	vor.u32 v4, v3  }
0xf4: {  	v3 =	vor.u32 v1, v3;
	_ =	sdelay $0x4  }
0xf5: {  	v29 =	vld.idx.msk [tilespmem:v3+s13+$0x0], $0xffff;
	_ =	sdelay $0x3  }
0xf6: {  	s21 =	sadd.s32 $0x1, s20  }
0xf7: {  	v6 =	vmov s21;
	v5 =	vshll.u32 v29, $0x3  }
0xf8: {  	v7 =	vshll.u32 v6, $0x3;
	v4 =	vand.u32 $0x7F, v29;
	v5 =	vand.u32 $0xFFFFFC00, v5  }
0xf9: {  	v30 =	vand.u32 $0x79, v6;
	v31 =	vand.u32 $0x400, v7;
	v4 =	vor.u32 v4, v5  }
0xfa: {  	v3 =	vld.idx.msk [tilespmem:v3+s12+$0x0], $0xffff;
	v5 =	vor.u32 v31, v30;
	v4 =	vadd.s32 v2, v4  }
0xfb: {  	v5 =	vor.u32 v1, v5;
	_ =	sdelay $0x3  }
0xfc: {  	[tilespmem:v4+s16+$0x0] =	vst.idx.add.f32.msk $0xffff, v3  }
0xfd: {  	v3 =	vld.idx.msk [tilespmem:v5+s13+$0x0], $0xffff;
	_ =	sdelay $0x3  }
0xfe: {  	s25 =	sadd.s32 $0x2, s20  }
0xff: {  	v33 =	vmov s25;
	v32 =	vshll.u32 v3, $0x3  }
0x100: {  	v34 =	vshll.u32 v33, $0x3;
	v3 =	vand.u32 $0x7F, v3;
	v4 =	vand.u32 $0xFFFFFC00, v32  }
0x101: {  	v35 =	vand.u32 $0x7A, v33;
	v36 =	vand.u32 $0x400, v34;
	v3 =	vor.u32 v3, v4  }
0x102: {  	v5 =	vld.idx.msk [tilespmem:v5+s12+$0x0], $0xffff;
	v4 =	vor.u32 v36, v35;
	v3 =	vadd.s32 v2, v3  }
0x103: {  	v4 =	vor.u32 v1, v4;
	_ =	sdelay $0x3  }
0x104: {  	[tilespmem:v3+s16+$0x0] =	vst.idx.add.f32.msk $0xffff, v5  }
0x105: {  	v3 =	vld.idx.msk [tilespmem:v4+s13+$0x0], $0xffff;
	_ =	sdelay $0x3  }
0x106: {  	s26 =	sadd.s32 $0x3, s20  }
0x107: {  	v38 =	vmov s26;
	v37 =	vshll.u32 v3, $0x3  }
0x108: {  	v39 =	vshll.u32 v38, $0x3;
	v3 =	vand.u32 $0x7F, v3;
	v5 =	vand.u32 $0xFFFFFC00, v37  }
0x109: {  	v40 =	vand.u32 $0x7B, v38;
	v41 =	vand.u32 $0x400, v39;
	v3 =	vor.u32 v3, v5  }
0x10a: {  	v4 =	vld.idx.msk [tilespmem:v4+s12+$0x0], $0xffff;
	v5 =	vor.u32 v41, v40;
	v3 =	vadd.s32 v2, v3  }
0x10b: {  	v5 =	vor.u32 v1, v5;
	_ =	sdelay $0x3  }
0x10c: {  	[tilespmem:v3+s16+$0x0] =	vst.idx.add.f32.msk $0xffff, v4  }
0x10d: {  	v3 =	vld.idx.msk [tilespmem:v5+s13+$0x0], $0xffff;
	_ =	sdelay $0x3  }
0x10e: {  	s28 =	sadd.s32 $0x4, s20  }
0x10f: {  	v43 =	vmov s28;
	v42 =	vshll.u32 v3, $0x3  }
0x110: {  	v44 =	vshll.u32 v43, $0x3;
	v3 =	vand.u32 $0x7F, v3;
	v4 =	vand.u32 $0xFFFFFC00, v42  }
0x111: {  	v45 =	vand.u32 $0x7C, v43;
	v46 =	vand.u32 $0x400, v44;
	v3 =	vor.u32 v3, v4  }
0x112: {  	v5 =	vld.idx.msk [tilespmem:v5+s12+$0x0], $0xffff;
	v4 =	vor.u32 v46, v45;
	v3 =	vadd.s32 v2, v3  }
0x113: {  	v4 =	vor.u32 v1, v4;
	_ =	sdelay $0x3  }
0x114: {  	[tilespmem:v3+s16+$0x0] =	vst.idx.add.f32.msk $0xffff, v5  }
0x115: {  	v3 =	vld.idx.msk [tilespmem:v4+s13+$0x0], $0xffff;
	_ =	sdelay $0x3  }
0x116: {  	s29 =	sadd.s32 $0x5, s20  }
0x117: {  	v48 =	vmov s29;
	v47 =	vshll.u32 v3, $0x3  }
0x118: {  	v49 =	vshll.u32 v48, $0x3;
	v3 =	vand.u32 $0x7F, v3;
	v5 =	vand.u32 $0xFFFFFC00, v47  }
0x119: {  	v50 =	vand.u32 $0x7D, v48;
	v51 =	vand.u32 $0x400, v49;
	v3 =	vor.u32 v3, v5  }
0x11a: {  	v4 =	vld.idx.msk [tilespmem:v4+s12+$0x0], $0xffff;
	v5 =	vor.u32 v51, v50;
	v3 =	vadd.s32 v2, v3  }
0x11b: {  	v5 =	vor.u32 v1, v5;
	_ =	sdelay $0x3  }
0x11c: {  	[tilespmem:v3+s16+$0x0] =	vst.idx.add.f32.msk $0xffff, v4  }
0x11d: {  	v3 =	vld.idx.msk [tilespmem:v5+s13+$0x0], $0xffff;
	_ =	sdelay $0x3  }
0x11e: {  	s30 =	sadd.s32 $0x6, s20  }
0x11f: {  	v53 =	vmov s30;
	v52 =	vshll.u32 v3, $0x3  }
0x120: {  	v54 =	vshll.u32 v53, $0x3;
	v3 =	vand.u32 $0x7F, v3;
	v4 =	vand.u32 $0xFFFFFC00, v52  }
0x121: {  	v55 =	vand.u32 $0x7E, v53;
	v56 =	vand.u32 $0x400, v54;
	v3 =	vor.u32 v3, v4  }
0x122: {  	v5 =	vld.idx.msk [tilespmem:v5+s12+$0x0], $0xffff;
	v4 =	vor.u32 v56, v55;
	v3 =	vadd.s32 v2, v3  }
0x123: {  	v4 =	vor.u32 v1, v4;
	_ =	sdelay $0x3  }
0x124: {  	[tilespmem:v3+s16+$0x0] =	vst.idx.add.f32.msk $0xffff, v5  }
0x125: {  	v3 =	vld.idx.msk [tilespmem:v4+s13+$0x0], $0xffff;
	_ =	sdelay $0x3  }
0x126: {  	s31 =	sadd.s32 $0x7, s20  }
0x127: {  	v58 =	vmov s31;
	v57 =	vshll.u32 v3, $0x3  }
0x128: {  	v59 =	vshll.u32 v58, $0x3;
	v3 =	vand.u32 $0x7F, v3;
	v5 =	vand.u32 $0xFFFFFC00, v57  }
0x129: {  	v60 =	vand.u32 $0x7F, v58;
	v61 =	vand.u32 $0x400, v59;
	v3 =	vor.u32 v3, v5  }
0x12a: {  	v4 =	vld.idx.msk [tilespmem:v4+s12+$0x0], $0xffff;
	v5 =	vor.u32 v61, v60;
	v3 =	vadd.s32 v2, v3  }
0x12b: {  	v5 =	vor.u32 v1, v5;
	_ =	sdelay $0x3  }
0x12c: {  	[tilespmem:v3+s16+$0x0] =	vst.idx.add.f32.msk $0xffff, v4  }
0x12d: {  	v3 =	vld.idx.msk [tilespmem:v5+s13+$0x0], $0xffff;
	_ =	sdelay $0x4  }
0x12e: {  	v62 =	vshll.u32 v3, $0x3  }
0x12f: {  	v3 =	vand.u32 $0x7F, v3;
	v4 =	vand.u32 $0xFFFFFC00, v62  }
0x130: {  	v3 =	vor.u32 v3, v4  }
0x131: {  	p0 =	slt.u32 s20, $0xC0;
	v63 =	vld.idx.msk [tilespmem:v5+s12+$0x0], $0xffff;
	v3 =	vadd.s32 v2, v3  }
.Ltmp3:
0x132: {  	_ = 	snop;
	(pc) =	sbr.rel @p0 .LBB2_8-.Ltmp3, $2  }
0x133: {  	_ =	sdelay $0x2  }
0x134: {  	s20 =	sadd.s32 $0x8, s20;
	[tilespmem:v3+s16+$0x0] =	vst.idx.add.f32.msk $0xffff, v63  }
0x135: {  	[hbm4b:s8+s2] =	stream.linear.scatter [tilespmem:s16], [sflag:$0x4], $0x4000, $0x38;
	[tilespmem:$0xC000] =	vst v63  }
0x136: {  	s19 =	sadd.s32 $0x1, s19  }
0x137: {  	_ =	swait.ge [sflag:s17], $0x4000;
	p0 =	sne.s32 s19, s9  }
.Ltmp4:
0x138: {  	[sflag:s17] =	ssyncset.done $0x0;
	(pc) =	sbr.rel @p0 .LBB2_1-.Ltmp4, $4  }
0x139: {  	[sflag:s17] =	ssyncadd.s32 $0xFFFFC000  }
0x13a: {  	_ =	swait.ge [sflag:s18], $0x4000  }
0x13b: {  	[sflag:s18] =	ssyncset.done $0x0  }
0x13c: {  	[sflag:s18] =	ssyncadd.s32 $0xFFFFC000  }
0x13d: {  	_ =	sfence.sel $0x180000  }
0x13e: {  	[bflag:$0x0] =	sbarrier.arrive $0xFFFF  }
0x13f: {  	p0 =	sne.s32 s1, $0x0;
	_ =	strace $0x90000047  }
0x140: {  	s0 =	sadd.s32 @!p0 $0x100000, s0;
	[bflag:$0x2] =	sbarrier.arrive $0xFFFF  }
0x141: {  	[sflag:s0] =	ssyncadd.tile.s32 @!p0 $0x1;
	_ =	shalt  }
.Lfunc_end2:
_tile_overlayer_lowered:
.L_overlay_start_2:
0x142: {  	(tag) =	ssettag $0x2  }
0x143: {  	s0 =	rddreg [dreg:$0x0];
	s2 =	stileid.u32  }
0x144: {  	s1 =	rddreg [dreg:$0x1];
	p0 =	sne.s32 s2, $0x0  }
0x145: {  	s3 =	rddreg [dreg:$0x2];
	[bflag:$0x3] =	sbarrier.arrive $0xFFFF;
	s2 =	simm.s32 @!p0 $0x1C05  }
0x146: {  	[timem:s3], [sflag:s2] =	dma.local @!p0 [hbm:s0], s1  }
0x147: {  	s0 =	simm.s32 @!p0 $0x5  }
0x148: {  	_ =	swait.ge @!p0 [sflag:s0], s1  }
0x149: {  	s1 =	ssub.s32 @!p0 $0x0, s1;
	[sflag:s0] =	ssyncset.done @!p0 $0x0  }
0x14a: {  	[sflag:s0] =	ssyncadd.s32 @!p0 s1  }
0x14b: {  	[bflag:$0x3] =	sbarrier.arrive $0xFFFF  }
0x14c: {  	_ =	shalt  }

</sc_bundles>
